<compile_context>
chip_gen: v7x
topology: tpu7x:2x2x1
jax: 0.10.2.dev20260603
libtpu: 0.0.44.dev20260713+nightly
codegen_flags: <defaults>
</compile_context>

<pallas_src>
import functools

import jax
import jax.numpy as jnp
from jax import lax
from jax.experimental import pallas as pl
from jax.experimental.pallas import tpu as pltpu
from jax.experimental.pallas import tpu_sc as plsc

_NB = 256
_CHUNK = 2048
_NBINS = _NB * _NB
_NC, _NS = 2, 16


def _sc_histograms(e1, e2, e3, zeros_hbm, ones_hbm):
    E = e1.shape[1]
    NW = _NC * _NS
    CH = E // NW
    ROWS = CH // 128
    mesh = plsc.VectorSubcoreMesh(core_axis_name="c", subcore_axis_name="s")

    @functools.partial(
        pl.kernel, mesh=mesh,
        out_type=jax.ShapeDtypeStruct((_NC, 3 * _NBINS), jnp.float32),
        scratch_types=[
            pltpu.VMEM((CH,), jnp.int32),
            pltpu.VMEM((CH,), jnp.int32),
            pltpu.VMEM((3 * ROWS, 128), jnp.int32),
            pltpu.VMEM((128,), jnp.float32),
            pltpu.VMEM_SHARED((3 * _NBINS,), jnp.float32),
            pltpu.SemaphoreType.DMA,
        ],
    )
    def hist(e1_hbm, e2_hbm, e3_hbm, z_hbm, o_hbm, out_hbm,
             src_v, dst_v, idx_v, ones_v, shared, sem):
        c = lax.axis_index("c")
        s = lax.axis_index("s")
        base = (s * _NC + c) * CH

        @pl.when(s == 0)
        def _():
            pltpu.sync_copy(z_hbm, shared)

        pltpu.sync_copy(o_hbm, ones_v)
        for a, ehbm in enumerate((e1_hbm, e2_hbm, e3_hbm)):
            pltpu.sync_copy(ehbm.at[0, pl.ds(base, CH)], src_v)
            pltpu.sync_copy(ehbm.at[1, pl.ds(base, CH)], dst_v)

            def body(r, _, a=a):
                for u in range(8):
                    off = r * 128 + u * 16
                    sv = src_v[pl.ds(off, 16)]
                    dv = dst_v[pl.ds(off, 16)]
                    idx_v[a * ROWS + r, pl.ds(u * 16, 16)] = (
                        dv * _NB + sv + a * _NBINS)
                return 0

            lax.fori_loop(0, ROWS, body, 0)
        plsc.subcore_barrier()

        def sbody(j, _):
            pltpu.sync_copy(ones_v, shared.at[idx_v.at[j]], add=True)
            return 0

        lax.fori_loop(0, 3 * ROWS, sbody, 0)
        plsc.subcore_barrier()

        @pl.when(s == 0)
        def _():
            pltpu.sync_copy(shared, out_hbm.at[c])

    return hist(e1, e2, e3, zeros_hbm, ones_hbm)


def _hist_kernel(s1, d1, s2, d2, s3, d3, c1, c2, c3):
    step = pl.program_id(0)

    def onehot(idx_ref):
        idx = idx_ref[0]
        rows = jax.lax.broadcasted_iota(jnp.int32, (_NB, _CHUNK), 0)
        return jnp.where(idx == rows, 1.0, 0.0).astype(jnp.bfloat16)

    dn = (((1,), (1,)), ((), ()))
    for sref, dref, cref in ((s1, d1, c1), (s2, d2, c2), (s3, d3, c3)):
        oh_s = onehot(sref)
        oh_d = onehot(dref)
        prod = jax.lax.dot_general(oh_d, oh_s, dn,
                                   preferred_element_type=jnp.float32)

        @pl.when(step == 0)
        def _(cref=cref, prod=prod):
            cref[...] = prod

        @pl.when(step != 0)
        def _(cref=cref, prod=prod):
            cref[...] += prod


def _histograms(src1, dst1, src2, dst2, src3, dst3):
    e = src1.shape[0]
    steps = e // _CHUNK
    r = lambda a: a.reshape(steps, 1, _CHUNK)
    in_spec = pl.BlockSpec((1, 1, _CHUNK), lambda i: (i, 0, 0))
    out_spec = pl.BlockSpec((_NB, _NB), lambda i: (0, 0))
    return pl.pallas_call(
        _hist_kernel,
        grid=(steps,),
        in_specs=[in_spec] * 6,
        out_specs=[out_spec] * 3,
        out_shape=[jax.ShapeDtypeStruct((_NB, _NB), jnp.float32)] * 3,
    )(r(src1), r(dst1), r(src2), r(dst2), r(src3), r(dst3))


def _leaky(v):
    return jnp.where(v >= 0, v, 0.01 * v)


def _dense_kernel(c1, c2, c3, ne, w_h, b_h, w_l1, b_l1, w_gcn, b_gcn,
                  w_l2, b_l2, w_l3, b_l3, w_o, b_o, out, yt_scr):
    f32 = jnp.float32
    dn_t = (((0,), (0,)), ((), ()))
    ones_col = jnp.ones((_NB, 1), f32)

    C = c1[0] + c1[1]
    A = c2[0] + c2[1]
    Mc = c3[0] + c3[1]

    Bdeg = jnp.dot(C, ones_col, preferred_element_type=f32)
    Ddeg = jax.lax.dot_general(C, ones_col, dn_t,
                               preferred_element_type=f32)
    Binv = jnp.where(Bdeg > 0, 1.0 / Bdeg, 0.0)
    Dinv = jnp.where(Ddeg > 0, 1.0 / Ddeg, 0.0)

    x = jnp.dot(ne[...], w_h[...], preferred_element_type=f32)
    e = jnp.dot(C, x, preferred_element_type=f32) * Binv
    y = jax.lax.dot_general(C, e, dn_t, preferred_element_type=f32) * Dinv + b_h[...]
    y = _leaky(y)
    y = jax.lax.dot_general(y, y, dn_t, preferred_element_type=f32)
    y = _leaky(jnp.dot(y, w_l1[...], preferred_element_type=f32) + b_l1[...])

    ymean = jnp.dot(C, y, preferred_element_type=f32) / jnp.maximum(Bdeg, 1.0)
    xw = jnp.dot(ymean, w_gcn[...], preferred_element_type=f32)
    deg = jnp.dot(A, ones_col, preferred_element_type=f32) + 1.0
    dis = jnp.where(deg > 0, jax.lax.rsqrt(deg), 0.0)
    z = dis * xw
    yg = dis * (jnp.dot(A, z, preferred_element_type=f32) + z) + b_gcn[...]
    y = _leaky(jnp.dot(yg, w_l2[...], preferred_element_type=f32) + b_l2[...])

    big = jnp.float32(1e30)
    pen = jnp.where(Mc > 0, 0.0, big)
    yt_scr[...] = y

    def nstep(nb, acc):
        sel0 = jax.lax.broadcasted_iota(jnp.int32, (_NB, 8), 0)
        sel1 = jax.lax.broadcasted_iota(jnp.int32, (_NB, 8), 1)
        sel = jnp.where(sel0 == nb * 8 + sel1, 1.0, 0.0)
        pcols = jnp.dot(pen, sel, preferred_element_type=f32)
        yblk = yt_scr[pl.ds(nb * 8, 8), :]
        for u in range(8):
            cand = pcols[:, u:u + 1] + yblk[u:u + 1, :]
            acc = jnp.minimum(acc, cand)
        return acc

    acc = jax.lax.fori_loop(0, _NB // 8, nstep,
                            jnp.full((_NB, _NB), big, f32))
    ymin = jnp.where(acc > 1e29, 0.0, acc)
    ym = jnp.dot(ymin, w_l3[...], preferred_element_type=f32) + b_l3[...]
    out[...] = jnp.dot(ym, w_o[...], preferred_element_type=f32) + b_o[...]


def _dense(counts, ne, *weights):
    c1, c2, c3 = counts
    args = (c1, c2, c3, ne) + tuple(weights)
    return pl.pallas_call(
        _dense_kernel,
        out_shape=jax.ShapeDtypeStruct((_NB, 64), jnp.float32),
        scratch_shapes=[pltpu.VMEM((_NB, _NB), jnp.float32)],
    )(*args)


def kernel(edge_index, edge_edge_index, motif_edge_index, node_embeds,
           W_h, b_h, W_l1, b_l1, W_gcn, b_gcn, W_l2, b_l2, W_eo, b_eo,
           W_l3, b_l3, W_o, b_o):
    del W_eo, b_eo
    zeros_hbm = jnp.zeros((3 * _NBINS,), jnp.float32)
    ones_hbm = jnp.ones((128,), jnp.float32)
    hp = _sc_histograms(edge_index, edge_edge_index, motif_edge_index,
                        zeros_hbm, ones_hbm)
    hp = hp.reshape(_NC, 3, _NB, _NB)
    counts = (hp[:, 0], hp[:, 1], hp[:, 2])
    row = lambda b: b.reshape(1, -1)
    return _dense(counts, node_embeds,
                  W_h, row(b_h), W_l1, row(b_l1), W_gcn, row(b_gcn),
                  W_l2, row(b_l2), W_l3, row(b_l3), W_o, row(b_o))

# --- scband reference (transcript-rebuilt; emitter-appended) ---
"""Pipeline reference for scband-hypergraph-motif-conv-e-40054865003218 (READ-ONLY COPY).

The authoritative reference and input builder live on the scoring server;
editing this copy changes nothing except your own understanding.
"""

import jax, jax.numpy as jnp
import numpy as np

C1, C2, C3, COUT = 256, 256, 128, 64
N, M, K = 256, 256, 256
E = 131072

def _lin(k, i, o):
    k1, k2 = jax.random.split(k)
    s = 1.0 / np.sqrt(i)
    W = jax.random.uniform(k1, (i, o), minval=-s, maxval=s, dtype=jnp.float32)
    b = jax.random.uniform(k2, (o,), minval=-s, maxval=s, dtype=jnp.float32)
    return W, b

def setup_inputs(seed: int = 0):
    key = jax.random.key(seed)
    ks = jax.random.split(key, 12)
    inp = {}
    inp['edge_index'] = jax.random.randint(ks[0], (2, E), 0, N, dtype=jnp.int32)
    inp['edge_edge_index'] = jax.random.randint(ks[1], (2, E), 0, M, dtype=jnp.int32)
    inp['motif_edge_index'] = jax.random.randint(ks[2], (2, E), 0, K, dtype=jnp.int32)
    inp['node_embeds'] = jax.random.normal(ks[3], (N, C1), dtype=jnp.float32) * 0.1
    inp['W_h'], inp['b_h'] = _lin(ks[4], C1, C1)
    inp['W_l1'], inp['b_l1'] = _lin(ks[5], C1, C1)
    inp['W_gcn'], inp['b_gcn'] = _lin(ks[6], C1, C2)
    inp['W_l2'], inp['b_l2'] = _lin(ks[7], C2, C2)
    inp['W_eo'], inp['b_eo'] = _lin(ks[8], C2, COUT)
    inp['W_l3'], inp['b_l3'] = _lin(ks[9], C2, C3)
    inp['W_o'], inp['b_o'] = _lin(ks[10], C3, COUT)
    return inp

def _forward(node_embeds, W_h, b_h, W_l1, b_l1, W_gcn, b_gcn, W_l2, b_l2, W_eo, b_eo, W_l3, b_l3, W_o, b_o, edge_index, edge_edge_index, motif_edge_index):
    src = edge_index[0]
    he = edge_index[1]
    ones_e = jnp.ones(src.shape[0], jnp.float32)
    # node_embeddings: HypergraphConv (use_attention=False): D^-1 H B^-1 H^T X Theta + bias
    x = node_embeds @ W_h
    Ddeg = jax.ops.segment_sum(ones_e, src, N)
    Dinv = jnp.where(Ddeg > 0, 1.0 / Ddeg, 0.0)
    Bdeg = jax.ops.segment_sum(ones_e, he, M)
    Binv = jnp.where(Bdeg > 0, 1.0 / Bdeg, 0.0)
    e = jax.ops.segment_sum(x[src], he, M) * Binv[:, None]
    y = jax.ops.segment_sum(e[he], src, N) * Dinv[:, None] + b_h
    y = jax.nn.leaky_relu(y)
    y = y.T @ y
    y = jax.nn.leaky_relu(y @ W_l1 + b_l1)
    # edge_embeddings: mean-aggregate gathered rows into hyperedge segments
    g = y[src]
    cnt = jax.ops.segment_sum(ones_e, he, M)
    ymean = jax.ops.segment_sum(g, he, M) / jnp.maximum(cnt, 1.0)[:, None]
    # GCNConv over hyperedge-hyperedge graph (self loops + sym norm)
    xw = ymean @ W_gcn
    loops = jnp.arange(M, dtype=edge_edge_index.dtype)
    s2 = jnp.concatenate([edge_edge_index[0], loops])
    d2 = jnp.concatenate([edge_edge_index[1], loops])
    deg = jax.ops.segment_sum(jnp.ones(d2.shape[0], jnp.float32), d2, M)
    dis = jnp.where(deg > 0, deg ** -0.5, 0.0)
    norm = dis[s2] * dis[d2]
    yg = jax.ops.segment_sum(xw[s2] * norm[:, None], d2, M) + b_gcn
    y = jax.nn.leaky_relu(yg @ W_l2 + b_l2)
    _edge_out = y @ W_eo + b_eo  # computed in original forward, then discarded
    # motif_embeddings: min-aggregate
    gm = y[motif_edge_index[0]]
    ymin = jax.ops.segment_min(gm, motif_edge_index[1], K)
    ymin = jnp.where(jnp.isfinite(ymin), ymin, 0.0)
    ym = ymin @ W_l3 + b_l3
    return ym @ W_o + b_o

def reference(edge_index, edge_edge_index, motif_edge_index, node_embeds, W_h, b_h, W_l1, b_l1, W_gcn, b_gcn, W_l2, b_l2, W_eo, b_eo, W_l3, b_l3, W_o, b_o):
    return _forward(node_embeds, W_h, b_h, W_l1, b_l1, W_gcn, b_gcn, W_l2, b_l2, W_eo, b_eo, W_l3, b_l3, W_o, b_o, edge_index, edge_edge_index, motif_edge_index)

if __name__ == "__main__":
    import jax
    _d = setup_inputs()
    print(jax.jit(kernel)(*tuple(_d.values())))

</pallas_src>

<mosaic_0001>
#map = affine_map<(d0, d1) -> (0, 0)>
#map1 = affine_map<(d0, d1) -> (0)>
module attributes {stable_mosaic.version = 14 : i64} {
  func.func @hist(%arg0: i32, %arg1: i32, %arg2: memref<2x131072xi32, #tpu.memory_space<hbm>>, %arg3: memref<2x131072xi32, #tpu.memory_space<hbm>>, %arg4: memref<2x131072xi32, #tpu.memory_space<hbm>>, %arg5: memref<196608xf32, #tpu.memory_space<hbm>>, %arg6: memref<128xf32, #tpu.memory_space<hbm>>, %arg7: memref<2x196608xf32, #tpu.memory_space<hbm>>, %arg8: memref<4096xi32, #tpu.memory_space<vmem>>, %arg9: memref<4096xi32, #tpu.memory_space<vmem>>, %arg10: memref<96x128xi32, #tpu.memory_space<vmem>>, %arg11: memref<128xf32, #tpu.memory_space<vmem>>, %arg12: memref<196608xf32, #tpu.memory_space<vmem_shared>>, %arg13: memref<!tpu.dma_semaphore, #tpu.memory_space<semaphore_mem>>) attributes {dimension_semantics = [#tpu.dimension_semantics<core_parallel>, #tpu.dimension_semantics<subcore_parallel>], iteration_bounds = array<i64: 2, 16>, scalar_prefetch = 0 : i64, scratch_operands = 6 : i64, tpu.core_type = #tpu.core_type<sc_vector_subcore>, window_params = [{transform_indices = #map}, {transform_indices = #map}, {transform_indices = #map}, {transform_indices = #map1}, {transform_indices = #map1}, {transform_indices = #map}]} {
    %mul3A = arith.constant 2 : i32
    %mul3A_0 = arith.muli %arg1, %mul3A : i32
    %add3A = arith.addi %mul3A_0, %arg0 : i32
    %mul3A_1 = arith.constant 4096 : i32
    %mul3A_2 = arith.muli %add3A, %mul3A_1 : i32
    %eq3A = arith.constant 0 : i32
    %eq3A_3 = arith.cmpi eq, %arg1, %eq3A : i32
    %convert_element_type3A = arith.extui %eq3A_3 : i1 to i32
    %cond3A = arith.constant 0 : i32
    %cond3A_4 = arith.cmpi ne, %convert_element_type3A, %cond3A : i32
    scf.if %cond3A_4 {
      "tpu.region"() ({
        %run_scoped3A_43 = tpu.sem_alloc : memref<!tpu.dma_semaphore, #tpu.memory_space<semaphore_mem>>
        tpu.enqueue_dma source(%arg5 : memref<196608xf32, #tpu.memory_space<hbm>>) target(%arg12 : memref<196608xf32, #tpu.memory_space<vmem_shared>>) target_semaphore(%run_scoped3A_43 : memref<!tpu.dma_semaphore, #tpu.memory_space<semaphore_mem>>)
        tpu.wait_dma2 semaphore(%run_scoped3A_43 : memref<!tpu.dma_semaphore, #tpu.memory_space<semaphore_mem>>) src(%arg5 : memref<196608xf32, #tpu.memory_space<hbm>>) dst(%arg12 : memref<196608xf32, #tpu.memory_space<vmem_shared>>)
        tpu.yield
      }) : () -> ()
    } else {
    }
    "tpu.region"() ({
      %run_scoped3A_43 = tpu.sem_alloc : memref<!tpu.dma_semaphore, #tpu.memory_space<semaphore_mem>>
      tpu.enqueue_dma source(%arg6 : memref<128xf32, #tpu.memory_space<hbm>>) target(%arg11 : memref<128xf32, #tpu.memory_space<vmem>>) target_semaphore(%run_scoped3A_43 : memref<!tpu.dma_semaphore, #tpu.memory_space<semaphore_mem>>)
      tpu.wait_dma2 semaphore(%run_scoped3A_43 : memref<!tpu.dma_semaphore, #tpu.memory_space<semaphore_mem>>) src(%arg6 : memref<128xf32, #tpu.memory_space<hbm>>) dst(%arg11 : memref<128xf32, #tpu.memory_space<vmem>>)
      tpu.yield
    }) : () -> ()
    %run_scoped3A = arith.constant 0 : i32
    "tpu.region"() ({
      %run_scoped3A_43 = tpu.sem_alloc : memref<!tpu.dma_semaphore, #tpu.memory_space<semaphore_mem>>
      %dma_start3A = tpu.memref_slice %arg2[%run_scoped3A, %mul3A_2] : memref<2x131072xi32, #tpu.memory_space<hbm>> -> memref<1x4096xi32, #tpu.memory_space<hbm>>
      %dma_start3A_44 = tpu.memref_squeeze %dma_start3A : memref<1x4096xi32, #tpu.memory_space<hbm>> -> memref<4096xi32, #tpu.memory_space<hbm>>
      %dma_start3A_45 = tpu.memref_slice %arg2[%run_scoped3A, %mul3A_2] : memref<2x131072xi32, #tpu.memory_space<hbm>> -> memref<1x4096xi32, #tpu.memory_space<hbm>>
      %dma_start3A_46 = tpu.memref_squeeze %dma_start3A_45 : memref<1x4096xi32, #tpu.memory_space<hbm>> -> memref<4096xi32, #tpu.memory_space<hbm>>
      tpu.enqueue_dma source(%dma_start3A_46 : memref<4096xi32, #tpu.memory_space<hbm>>) target(%arg8 : memref<4096xi32, #tpu.memory_space<vmem>>) target_semaphore(%run_scoped3A_43 : memref<!tpu.dma_semaphore, #tpu.memory_space<semaphore_mem>>)
      %dma_wait3A = tpu.memref_slice %arg2[%run_scoped3A, %mul3A_2] : memref<2x131072xi32, #tpu.memory_space<hbm>> -> memref<1x4096xi32, #tpu.memory_space<hbm>>
      %dma_wait3A_47 = tpu.memref_squeeze %dma_wait3A : memref<1x4096xi32, #tpu.memory_space<hbm>> -> memref<4096xi32, #tpu.memory_space<hbm>>
      %dma_wait3A_48 = tpu.memref_slice %arg2[%run_scoped3A, %mul3A_2] : memref<2x131072xi32, #tpu.memory_space<hbm>> -> memref<1x4096xi32, #tpu.memory_space<hbm>>
      %dma_wait3A_49 = tpu.memref_squeeze %dma_wait3A_48 : memref<1x4096xi32, #tpu.memory_space<hbm>> -> memref<4096xi32, #tpu.memory_space<hbm>>
      tpu.wait_dma2 semaphore(%run_scoped3A_43 : memref<!tpu.dma_semaphore, #tpu.memory_space<semaphore_mem>>) src(%dma_wait3A_49 : memref<4096xi32, #tpu.memory_space<hbm>>) dst(%arg8 : memref<4096xi32, #tpu.memory_space<vmem>>)
      tpu.yield
    }) : () -> ()
    %run_scoped3A_5 = arith.constant 1 : i32
    "tpu.region"() ({
      %run_scoped3A_43 = tpu.sem_alloc : memref<!tpu.dma_semaphore, #tpu.memory_space<semaphore_mem>>
      %dma_start3A = tpu.memref_slice %arg2[%run_scoped3A_5, %mul3A_2] : memref<2x131072xi32, #tpu.memory_space<hbm>> -> memref<1x4096xi32, #tpu.memory_space<hbm>>
      %dma_start3A_44 = tpu.memref_squeeze %dma_start3A : memref<1x4096xi32, #tpu.memory_space<hbm>> -> memref<4096xi32, #tpu.memory_space<hbm>>
      %dma_start3A_45 = tpu.memref_slice %arg2[%run_scoped3A_5, %mul3A_2] : memref<2x131072xi32, #tpu.memory_space<hbm>> -> memref<1x4096xi32, #tpu.memory_space<hbm>>
      %dma_start3A_46 = tpu.memref_squeeze %dma_start3A_45 : memref<1x4096xi32, #tpu.memory_space<hbm>> -> memref<4096xi32, #tpu.memory_space<hbm>>
      tpu.enqueue_dma source(%dma_start3A_46 : memref<4096xi32, #tpu.memory_space<hbm>>) target(%arg9 : memref<4096xi32, #tpu.memory_space<vmem>>) target_semaphore(%run_scoped3A_43 : memref<!tpu.dma_semaphore, #tpu.memory_space<semaphore_mem>>)
      %dma_wait3A = tpu.memref_slice %arg2[%run_scoped3A_5, %mul3A_2] : memref<2x131072xi32, #tpu.memory_space<hbm>> -> memref<1x4096xi32, #tpu.memory_space<hbm>>
      %dma_wait3A_47 = tpu.memref_squeeze %dma_wait3A : memref<1x4096xi32, #tpu.memory_space<hbm>> -> memref<4096xi32, #tpu.memory_space<hbm>>
      %dma_wait3A_48 = tpu.memref_slice %arg2[%run_scoped3A_5, %mul3A_2] : memref<2x131072xi32, #tpu.memory_space<hbm>> -> memref<1x4096xi32, #tpu.memory_space<hbm>>
      %dma_wait3A_49 = tpu.memref_squeeze %dma_wait3A_48 : memref<1x4096xi32, #tpu.memory_space<hbm>> -> memref<4096xi32, #tpu.memory_space<hbm>>
      tpu.wait_dma2 semaphore(%run_scoped3A_43 : memref<!tpu.dma_semaphore, #tpu.memory_space<semaphore_mem>>) src(%dma_wait3A_49 : memref<4096xi32, #tpu.memory_space<hbm>>) dst(%arg9 : memref<4096xi32, #tpu.memory_space<vmem>>)
      tpu.yield
    }) : () -> ()
    %scan3A = arith.constant 0 : i32
    %scan3A_6 = arith.constant 0 : i32
    %scan3A_7 = arith.constant 32 : i32
    %scan3A_8 = arith.addi %scan3A_6, %scan3A_7 : i32
    %scan3A_9 = arith.constant 1 : i32
    %scan3A_10 = scf.for %scan3A_43 = %scan3A_6 to %scan3A_8 step %scan3A_9 iter_args(%scan3A_44 = %scan3A) -> (i32)  : i32 {
      %mul3A_45 = arith.constant 128 : i32
      %mul3A_46 = arith.muli %scan3A_43, %mul3A_45 : i32
      %add3A_47 = arith.constant 0 : i32
      %add3A_48 = arith.addi %mul3A_46, %add3A_47 : i32
      %get3A = arith.index_cast %add3A_48 : i32 to index
      %get3A_49 = tpu.vector_load %arg8[%get3A] {strides = array<i32>} : memref<4096xi32, #tpu.memory_space<vmem>>, vector<16xi32>,
      %get3A_50 = vector.shape_cast %get3A_49 : vector<16xi32> to vector<16xi32>
      %get3A_51 = arith.index_cast %add3A_48 : i32 to index
      %get3A_52 = tpu.vector_load %arg9[%get3A_51] {strides = array<i32>} : memref<4096xi32, #tpu.memory_space<vmem>>, vector<16xi32>,
      %get3A_53 = vector.shape_cast %get3A_52 : vector<16xi32> to vector<16xi32>
      %mul3A_54 = arith.constant 256 : i32
      %mul3A_55 = vector.broadcast %mul3A_54 : i32 to vector<16xi32>
      %mul3A_56 = arith.muli %get3A_53, %mul3A_55 : vector<16xi32>
      %add3A_57 = arith.addi %mul3A_56, %get3A_50 : vector<16xi32>
      %add3A_58 = arith.constant 0 : i32
      %add3A_59 = vector.broadcast %add3A_58 : i32 to vector<16xi32>
      %add3A_60 = arith.addi %add3A_57, %add3A_59 : vector<16xi32>
      %add3A_61 = arith.constant 0 : i32
      %add3A_62 = arith.addi %add3A_61, %scan3A_43 : i32
      %swap3A = arith.index_cast %add3A_62 : i32 to index
      %swap3A_63 = arith.constant 0 : index
      %swap3A_64 = tpu.vector_load %arg10[%swap3A, %swap3A_63] {strides = array<i32>} : memref<96x128xi32, #tpu.memory_space<vmem>>, vector<1x16xi32>,
      %swap3A_65 = vector.shape_cast %swap3A_64 : vector<1x16xi32> to vector<16xi32>
      %swap3A_66 = vector.shape_cast %add3A_60 : vector<16xi32> to vector<1x16xi32>
      tpu.vector_store %arg10[%swap3A, %swap3A_63], %swap3A_66 {strides = array<i32>} : memref<96x128xi32, #tpu.memory_space<vmem>>, vector<1x16xi32>,
      %mul3A_67 = arith.constant 128 : i32
      %mul3A_68 = arith.muli %scan3A_43, %mul3A_67 : i32
      %add3A_69 = arith.constant 16 : i32
      %add3A_70 = arith.addi %mul3A_68, %add3A_69 : i32
      %get3A_71 = arith.index_cast %add3A_70 : i32 to index
      %get3A_72 = tpu.vector_load %arg8[%get3A_71] {strides = array<i32>} : memref<4096xi32, #tpu.memory_space<vmem>>, vector<16xi32>,
      %get3A_73 = vector.shape_cast %get3A_72 : vector<16xi32> to vector<16xi32>
      %get3A_74 = arith.index_cast %add3A_70 : i32 to index
      %get3A_75 = tpu.vector_load %arg9[%get3A_74] {strides = array<i32>} : memref<4096xi32, #tpu.memory_space<vmem>>, vector<16xi32>,
      %get3A_76 = vector.shape_cast %get3A_75 : vector<16xi32> to vector<16xi32>
      %mul3A_77 = arith.constant 256 : i32
      %mul3A_78 = vector.broadcast %mul3A_77 : i32 to vector<16xi32>
      %mul3A_79 = arith.muli %get3A_76, %mul3A_78 : vector<16xi32>
      %add3A_80 = arith.addi %mul3A_79, %get3A_73 : vector<16xi32>
      %add3A_81 = arith.constant 0 : i32
      %add3A_82 = vector.broadcast %add3A_81 : i32 to vector<16xi32>
      %add3A_83 = arith.addi %add3A_80, %add3A_82 : vector<16xi32>
      %add3A_84 = arith.constant 0 : i32
      %add3A_85 = arith.addi %add3A_84, %scan3A_43 : i32
      %swap3A_86 = arith.index_cast %add3A_85 : i32 to index
      %swap3A_87 = arith.constant 16 : index
      %swap3A_88 = tpu.vector_load %arg10[%swap3A_86, %swap3A_87] {strides = array<i32>} : memref<96x128xi32, #tpu.memory_space<vmem>>, vector<1x16xi32>,
      %swap3A_89 = vector.shape_cast %swap3A_88 : vector<1x16xi32> to vector<16xi32>
      %swap3A_90 = vector.shape_cast %add3A_83 : vector<16xi32> to vector<1x16xi32>
      tpu.vector_store %arg10[%swap3A_86, %swap3A_87], %swap3A_90 {strides = array<i32>} : memref<96x128xi32, #tpu.memory_space<vmem>>, vector<1x16xi32>,
      %mul3A_91 = arith.constant 128 : i32
      %mul3A_92 = arith.muli %scan3A_43, %mul3A_91 : i32
      %add3A_93 = arith.constant 32 : i32
      %add3A_94 = arith.addi %mul3A_92, %add3A_93 : i32
      %get3A_95 = arith.index_cast %add3A_94 : i32 to index
      %get3A_96 = tpu.vector_load %arg8[%get3A_95] {strides = array<i32>} : memref<4096xi32, #tpu.memory_space<vmem>>, vector<16xi32>,
      %get3A_97 = vector.shape_cast %get3A_96 : vector<16xi32> to vector<16xi32>
      %get3A_98 = arith.index_cast %add3A_94 : i32 to index
      %get3A_99 = tpu.vector_load %arg9[%get3A_98] {strides = array<i32>} : memref<4096xi32, #tpu.memory_space<vmem>>, vector<16xi32>,
      %get3A_100 = vector.shape_cast %get3A_99 : vector<16xi32> to vector<16xi32>
      %mul3A_101 = arith.constant 256 : i32
      %mul3A_102 = vector.broadcast %mul3A_101 : i32 to vector<16xi32>
      %mul3A_103 = arith.muli %get3A_100, %mul3A_102 : vector<16xi32>
      %add3A_104 = arith.addi %mul3A_103, %get3A_97 : vector<16xi32>
      %add3A_105 = arith.constant 0 : i32
      %add3A_106 = vector.broadcast %add3A_105 : i32 to vector<16xi32>
      %add3A_107 = arith.addi %add3A_104, %add3A_106 : vector<16xi32>
      %add3A_108 = arith.constant 0 : i32
      %add3A_109 = arith.addi %add3A_108, %scan3A_43 : i32
      %swap3A_110 = arith.index_cast %add3A_109 : i32 to index
      %swap3A_111 = arith.constant 32 : index
      %swap3A_112 = tpu.vector_load %arg10[%swap3A_110, %swap3A_111] {strides = array<i32>} : memref<96x128xi32, #tpu.memory_space<vmem>>, vector<1x16xi32>,
      %swap3A_113 = vector.shape_cast %swap3A_112 : vector<1x16xi32> to vector<16xi32>
      %swap3A_114 = vector.shape_cast %add3A_107 : vector<16xi32> to vector<1x16xi32>
      tpu.vector_store %arg10[%swap3A_110, %swap3A_111], %swap3A_114 {strides = array<i32>} : memref<96x128xi32, #tpu.memory_space<vmem>>, vector<1x16xi32>,
      %mul3A_115 = arith.constant 128 : i32
      %mul3A_116 = arith.muli %scan3A_43, %mul3A_115 : i32
      %add3A_117 = arith.constant 48 : i32
      %add3A_118 = arith.addi %mul3A_116, %add3A_117 : i32
      %get3A_119 = arith.index_cast %add3A_118 : i32 to index
      %get3A_120 = tpu.vector_load %arg8[%get3A_119] {strides = array<i32>} : memref<4096xi32, #tpu.memory_space<vmem>>, vector<16xi32>,
      %get3A_121 = vector.shape_cast %get3A_120 : vector<16xi32> to vector<16xi32>
      %get3A_122 = arith.index_cast %add3A_118 : i32 to index
      %get3A_123 = tpu.vector_load %arg9[%get3A_122] {strides = array<i32>} : memref<4096xi32, #tpu.memory_space<vmem>>, vector<16xi32>,
      %get3A_124 = vector.shape_cast %get3A_123 : vector<16xi32> to vector<16xi32>
      %mul3A_125 = arith.constant 256 : i32
      %mul3A_126 = vector.broadcast %mul3A_125 : i32 to vector<16xi32>
      %mul3A_127 = arith.muli %get3A_124, %mul3A_126 : vector<16xi32>
      %add3A_128 = arith.addi %mul3A_127, %get3A_121 : vector<16xi32>
      %add3A_129 = arith.constant 0 : i32
      %add3A_130 = vector.broadcast %add3A_129 : i32 to vector<16xi32>
      %add3A_131 = arith.addi %add3A_128, %add3A_130 : vector<16xi32>
      %add3A_132 = arith.constant 0 : i32
      %add3A_133 = arith.addi %add3A_132, %scan3A_43 : i32
      %swap3A_134 = arith.index_cast %add3A_133 : i32 to index
      %swap3A_135 = arith.constant 48 : index
      %swap3A_136 = tpu.vector_load %arg10[%swap3A_134, %swap3A_135] {strides = array<i32>} : memref<96x128xi32, #tpu.memory_space<vmem>>, vector<1x16xi32>,
      %swap3A_137 = vector.shape_cast %swap3A_136 : vector<1x16xi32> to vector<16xi32>
      %swap3A_138 = vector.shape_cast %add3A_131 : vector<16xi32> to vector<1x16xi32>
      tpu.vector_store %arg10[%swap3A_134, %swap3A_135], %swap3A_138 {strides = array<i32>} : memref<96x128xi32, #tpu.memory_space<vmem>>, vector<1x16xi32>,
      %mul3A_139 = arith.constant 128 : i32
      %mul3A_140 = arith.muli %scan3A_43, %mul3A_139 : i32
      %add3A_141 = arith.constant 64 : i32
      %add3A_142 = arith.addi %mul3A_140, %add3A_141 : i32
      %get3A_143 = arith.index_cast %add3A_142 : i32 to index
      %get3A_144 = tpu.vector_load %arg8[%get3A_143] {strides = array<i32>} : memref<4096xi32, #tpu.memory_space<vmem>>, vector<16xi32>,
      %get3A_145 = vector.shape_cast %get3A_144 : vector<16xi32> to vector<16xi32>
      %get3A_146 = arith.index_cast %add3A_142 : i32 to index
      %get3A_147 = tpu.vector_load %arg9[%get3A_146] {strides = array<i32>} : memref<4096xi32, #tpu.memory_space<vmem>>, vector<16xi32>,
      %get3A_148 = vector.shape_cast %get3A_147 : vector<16xi32> to vector<16xi32>
      %mul3A_149 = arith.constant 256 : i32
      %mul3A_150 = vector.broadcast %mul3A_149 : i32 to vector<16xi32>
      %mul3A_151 = arith.muli %get3A_148, %mul3A_150 : vector<16xi32>
      %add3A_152 = arith.addi %mul3A_151, %get3A_145 : vector<16xi32>
      %add3A_153 = arith.constant 0 : i32
      %add3A_154 = vector.broadcast %add3A_153 : i32 to vector<16xi32>
      %add3A_155 = arith.addi %add3A_152, %add3A_154 : vector<16xi32>
      %add3A_156 = arith.constant 0 : i32
      %add3A_157 = arith.addi %add3A_156, %scan3A_43 : i32
      %swap3A_158 = arith.index_cast %add3A_157 : i32 to index
      %swap3A_159 = arith.constant 64 : index
      %swap3A_160 = tpu.vector_load %arg10[%swap3A_158, %swap3A_159] {strides = array<i32>} : memref<96x128xi32, #tpu.memory_space<vmem>>, vector<1x16xi32>,
      %swap3A_161 = vector.shape_cast %swap3A_160 : vector<1x16xi32> to vector<16xi32>
      %swap3A_162 = vector.shape_cast %add3A_155 : vector<16xi32> to vector<1x16xi32>
      tpu.vector_store %arg10[%swap3A_158, %swap3A_159], %swap3A_162 {strides = array<i32>} : memref<96x128xi32, #tpu.memory_space<vmem>>, vector<1x16xi32>,
      %mul3A_163 = arith.constant 128 : i32
      %mul3A_164 = arith.muli %scan3A_43, %mul3A_163 : i32
      %add3A_165 = arith.constant 80 : i32
      %add3A_166 = arith.addi %mul3A_164, %add3A_165 : i32
      %get3A_167 = arith.index_cast %add3A_166 : i32 to index
      %get3A_168 = tpu.vector_load %arg8[%get3A_167] {strides = array<i32>} : memref<4096xi32, #tpu.memory_space<vmem>>, vector<16xi32>,
      %get3A_169 = vector.shape_cast %get3A_168 : vector<16xi32> to vector<16xi32>
      %get3A_170 = arith.index_cast %add3A_166 : i32 to index
      %get3A_171 = tpu.vector_load %arg9[%get3A_170] {strides = array<i32>} : memref<4096xi32, #tpu.memory_space<vmem>>, vector<16xi32>,
      %get3A_172 = vector.shape_cast %get3A_171 : vector<16xi32> to vector<16xi32>
      %mul3A_173 = arith.constant 256 : i32
      %mul3A_174 = vector.broadcast %mul3A_173 : i32 to vector<16xi32>
      %mul3A_175 = arith.muli %get3A_172, %mul3A_174 : vector<16xi32>
      %add3A_176 = arith.addi %mul3A_175, %get3A_169 : vector<16xi32>
      %add3A_177 = arith.constant 0 : i32
      %add3A_178 = vector.broadcast %add3A_177 : i32 to vector<16xi32>
      %add3A_179 = arith.addi %add3A_176, %add3A_178 : vector<16xi32>
      %add3A_180 = arith.constant 0 : i32
      %add3A_181 = arith.addi %add3A_180, %scan3A_43 : i32
      %swap3A_182 = arith.index_cast %add3A_181 : i32 to index
      %swap3A_183 = arith.constant 80 : index
      %swap3A_184 = tpu.vector_load %arg10[%swap3A_182, %swap3A_183] {strides = array<i32>} : memref<96x128xi32, #tpu.memory_space<vmem>>, vector<1x16xi32>,
      %swap3A_185 = vector.shape_cast %swap3A_184 : vector<1x16xi32> to vector<16xi32>
      %swap3A_186 = vector.shape_cast %add3A_179 : vector<16xi32> to vector<1x16xi32>
      tpu.vector_store %arg10[%swap3A_182, %swap3A_183], %swap3A_186 {strides = array<i32>} : memref<96x128xi32, #tpu.memory_space<vmem>>, vector<1x16xi32>,
      %mul3A_187 = arith.constant 128 : i32
      %mul3A_188 = arith.muli %scan3A_43, %mul3A_187 : i32
      %add3A_189 = arith.constant 96 : i32
      %add3A_190 = arith.addi %mul3A_188, %add3A_189 : i32
      %get3A_191 = arith.index_cast %add3A_190 : i32 to index
      %get3A_192 = tpu.vector_load %arg8[%get3A_191] {strides = array<i32>} : memref<4096xi32, #tpu.memory_space<vmem>>, vector<16xi32>,
      %get3A_193 = vector.shape_cast %get3A_192 : vector<16xi32> to vector<16xi32>
      %get3A_194 = arith.index_cast %add3A_190 : i32 to index
      %get3A_195 = tpu.vector_load %arg9[%get3A_194] {strides = array<i32>} : memref<4096xi32, #tpu.memory_space<vmem>>, vector<16xi32>,
      %get3A_196 = vector.shape_cast %get3A_195 : vector<16xi32> to vector<16xi32>
      %mul3A_197 = arith.constant 256 : i32
      %mul3A_198 = vector.broadcast %mul3A_197 : i32 to vector<16xi32>
      %mul3A_199 = arith.muli %get3A_196, %mul3A_198 : vector<16xi32>
      %add3A_200 = arith.addi %mul3A_199, %get3A_193 : vector<16xi32>
      %add3A_201 = arith.constant 0 : i32
      %add3A_202 = vector.broadcast %add3A_201 : i32 to vector<16xi32>
      %add3A_203 = arith.addi %add3A_200, %add3A_202 : vector<16xi32>
      %add3A_204 = arith.constant 0 : i32
      %add3A_205 = arith.addi %add3A_204, %scan3A_43 : i32
      %swap3A_206 = arith.index_cast %add3A_205 : i32 to index
      %swap3A_207 = arith.constant 96 : index
      %swap3A_208 = tpu.vector_load %arg10[%swap3A_206, %swap3A_207] {strides = array<i32>} : memref<96x128xi32, #tpu.memory_space<vmem>>, vector<1x16xi32>,
      %swap3A_209 = vector.shape_cast %swap3A_208 : vector<1x16xi32> to vector<16xi32>
      %swap3A_210 = vector.shape_cast %add3A_203 : vector<16xi32> to vector<1x16xi32>
      tpu.vector_store %arg10[%swap3A_206, %swap3A_207], %swap3A_210 {strides = array<i32>} : memref<96x128xi32, #tpu.memory_space<vmem>>, vector<1x16xi32>,
      %mul3A_211 = arith.constant 128 : i32
      %mul3A_212 = arith.muli %scan3A_43, %mul3A_211 : i32
      %add3A_213 = arith.constant 112 : i32
      %add3A_214 = arith.addi %mul3A_212, %add3A_213 : i32
      %get3A_215 = arith.index_cast %add3A_214 : i32 to index
      %get3A_216 = tpu.vector_load %arg8[%get3A_215] {strides = array<i32>} : memref<4096xi32, #tpu.memory_space<vmem>>, vector<16xi32>,
      %get3A_217 = vector.shape_cast %get3A_216 : vector<16xi32> to vector<16xi32>
      %get3A_218 = arith.index_cast %add3A_214 : i32 to index
      %get3A_219 = tpu.vector_load %arg9[%get3A_218] {strides = array<i32>} : memref<4096xi32, #tpu.memory_space<vmem>>, vector<16xi32>,
      %get3A_220 = vector.shape_cast %get3A_219 : vector<16xi32> to vector<16xi32>
      %mul3A_221 = arith.constant 256 : i32
      %mul3A_222 = vector.broadcast %mul3A_221 : i32 to vector<16xi32>
      %mul3A_223 = arith.muli %get3A_220, %mul3A_222 : vector<16xi32>
      %add3A_224 = arith.addi %mul3A_223, %get3A_217 : vector<16xi32>
      %add3A_225 = arith.constant 0 : i32
      %add3A_226 = vector.broadcast %add3A_225 : i32 to vector<16xi32>
      %add3A_227 = arith.addi %add3A_224, %add3A_226 : vector<16xi32>
      %add3A_228 = arith.constant 0 : i32
      %add3A_229 = arith.addi %add3A_228, %scan3A_43 : i32
      %swap3A_230 = arith.index_cast %add3A_229 : i32 to index
      %swap3A_231 = arith.constant 112 : index
      %swap3A_232 = tpu.vector_load %arg10[%swap3A_230, %swap3A_231] {strides = array<i32>} : memref<96x128xi32, #tpu.memory_space<vmem>>, vector<1x16xi32>,
      %swap3A_233 = vector.shape_cast %swap3A_232 : vector<1x16xi32> to vector<16xi32>
      %swap3A_234 = vector.shape_cast %add3A_227 : vector<16xi32> to vector<1x16xi32>
      tpu.vector_store %arg10[%swap3A_230, %swap3A_231], %swap3A_234 {strides = array<i32>} : memref<96x128xi32, #tpu.memory_space<vmem>>, vector<1x16xi32>,
      %scan3A_235 = arith.constant 0 : i32
      scf.yield %scan3A_235 : i32
    }
    %scan3A_11 = arith.constant 32 : i32
    %run_scoped3A_12 = arith.constant 0 : i32
    "tpu.region"() ({
      %run_scoped3A_43 = tpu.sem_alloc : memref<!tpu.dma_semaphore, #tpu.memory_space<semaphore_mem>>
      %dma_start3A = tpu.memref_slice %arg3[%run_scoped3A_12, %mul3A_2] : memref<2x131072xi32, #tpu.memory_space<hbm>> -> memref<1x4096xi32, #tpu.memory_space<hbm>>
      %dma_start3A_44 = tpu.memref_squeeze %dma_start3A : memref<1x4096xi32, #tpu.memory_space<hbm>> -> memref<4096xi32, #tpu.memory_space<hbm>>
      %dma_start3A_45 = tpu.memref_slice %arg3[%run_scoped3A_12, %mul3A_2] : memref<2x131072xi32, #tpu.memory_space<hbm>> -> memref<1x4096xi32, #tpu.memory_space<hbm>>
      %dma_start3A_46 = tpu.memref_squeeze %dma_start3A_45 : memref<1x4096xi32, #tpu.memory_space<hbm>> -> memref<4096xi32, #tpu.memory_space<hbm>>
      tpu.enqueue_dma source(%dma_start3A_46 : memref<4096xi32, #tpu.memory_space<hbm>>) target(%arg8 : memref<4096xi32, #tpu.memory_space<vmem>>) target_semaphore(%run_scoped3A_43 : memref<!tpu.dma_semaphore, #tpu.memory_space<semaphore_mem>>)
      %dma_wait3A = tpu.memref_slice %arg3[%run_scoped3A_12, %mul3A_2] : memref<2x131072xi32, #tpu.memory_space<hbm>> -> memref<1x4096xi32, #tpu.memory_space<hbm>>
      %dma_wait3A_47 = tpu.memref_squeeze %dma_wait3A : memref<1x4096xi32, #tpu.memory_space<hbm>> -> memref<4096xi32, #tpu.memory_space<hbm>>
      %dma_wait3A_48 = tpu.memref_slice %arg3[%run_scoped3A_12, %mul3A_2] : memref<2x131072xi32, #tpu.memory_space<hbm>> -> memref<1x4096xi32, #tpu.memory_space<hbm>>
      %dma_wait3A_49 = tpu.memref_squeeze %dma_wait3A_48 : memref<1x4096xi32, #tpu.memory_space<hbm>> -> memref<4096xi32, #tpu.memory_space<hbm>>
      tpu.wait_dma2 semaphore(%run_scoped3A_43 : memref<!tpu.dma_semaphore, #tpu.memory_space<semaphore_mem>>) src(%dma_wait3A_49 : memref<4096xi32, #tpu.memory_space<hbm>>) dst(%arg8 : memref<4096xi32, #tpu.memory_space<vmem>>)
      tpu.yield
    }) : () -> ()
    %run_scoped3A_13 = arith.constant 1 : i32
    "tpu.region"() ({
      %run_scoped3A_43 = tpu.sem_alloc : memref<!tpu.dma_semaphore, #tpu.memory_space<semaphore_mem>>
      %dma_start3A = tpu.memref_slice %arg3[%run_scoped3A_13, %mul3A_2] : memref<2x131072xi32, #tpu.memory_space<hbm>> -> memref<1x4096xi32, #tpu.memory_space<hbm>>
      %dma_start3A_44 = tpu.memref_squeeze %dma_start3A : memref<1x4096xi32, #tpu.memory_space<hbm>> -> memref<4096xi32, #tpu.memory_space<hbm>>
      %dma_start3A_45 = tpu.memref_slice %arg3[%run_scoped3A_13, %mul3A_2] : memref<2x131072xi32, #tpu.memory_space<hbm>> -> memref<1x4096xi32, #tpu.memory_space<hbm>>
      %dma_start3A_46 = tpu.memref_squeeze %dma_start3A_45 : memref<1x4096xi32, #tpu.memory_space<hbm>> -> memref<4096xi32, #tpu.memory_space<hbm>>
      tpu.enqueue_dma source(%dma_start3A_46 : memref<4096xi32, #tpu.memory_space<hbm>>) target(%arg9 : memref<4096xi32, #tpu.memory_space<vmem>>) target_semaphore(%run_scoped3A_43 : memref<!tpu.dma_semaphore, #tpu.memory_space<semaphore_mem>>)
      %dma_wait3A = tpu.memref_slice %arg3[%run_scoped3A_13, %mul3A_2] : memref<2x131072xi32, #tpu.memory_space<hbm>> -> memref<1x4096xi32, #tpu.memory_space<hbm>>
      %dma_wait3A_47 = tpu.memref_squeeze %dma_wait3A : memref<1x4096xi32, #tpu.memory_space<hbm>> -> memref<4096xi32, #tpu.memory_space<hbm>>
      %dma_wait3A_48 = tpu.memref_slice %arg3[%run_scoped3A_13, %mul3A_2] : memref<2x131072xi32, #tpu.memory_space<hbm>> -> memref<1x4096xi32, #tpu.memory_space<hbm>>
      %dma_wait3A_49 = tpu.memref_squeeze %dma_wait3A_48 : memref<1x4096xi32, #tpu.memory_space<hbm>> -> memref<4096xi32, #tpu.memory_space<hbm>>
      tpu.wait_dma2 semaphore(%run_scoped3A_43 : memref<!tpu.dma_semaphore, #tpu.memory_space<semaphore_mem>>) src(%dma_wait3A_49 : memref<4096xi32, #tpu.memory_space<hbm>>) dst(%arg9 : memref<4096xi32, #tpu.memory_space<vmem>>)
      tpu.yield
    }) : () -> ()
    %scan3A_14 = arith.constant 0 : i32
    %scan3A_15 = arith.constant 0 : i32
    %scan3A_16 = arith.constant 32 : i32
    %scan3A_17 = arith.addi %scan3A_15, %scan3A_16 : i32
    %scan3A_18 = arith.constant 1 : i32
    %scan3A_19 = scf.for %scan3A_43 = %scan3A_15 to %scan3A_17 step %scan3A_18 iter_args(%scan3A_44 = %scan3A_14) -> (i32)  : i32 {
      %mul3A_45 = arith.constant 128 : i32
      %mul3A_46 = arith.muli %scan3A_43, %mul3A_45 : i32
      %add3A_47 = arith.constant 0 : i32
      %add3A_48 = arith.addi %mul3A_46, %add3A_47 : i32
      %get3A = arith.index_cast %add3A_48 : i32 to index
      %get3A_49 = tpu.vector_load %arg8[%get3A] {strides = array<i32>} : memref<4096xi32, #tpu.memory_space<vmem>>, vector<16xi32>,
      %get3A_50 = vector.shape_cast %get3A_49 : vector<16xi32> to vector<16xi32>
      %get3A_51 = arith.index_cast %add3A_48 : i32 to index
      %get3A_52 = tpu.vector_load %arg9[%get3A_51] {strides = array<i32>} : memref<4096xi32, #tpu.memory_space<vmem>>, vector<16xi32>,
      %get3A_53 = vector.shape_cast %get3A_52 : vector<16xi32> to vector<16xi32>
      %mul3A_54 = arith.constant 256 : i32
      %mul3A_55 = vector.broadcast %mul3A_54 : i32 to vector<16xi32>
      %mul3A_56 = arith.muli %get3A_53, %mul3A_55 : vector<16xi32>
      %add3A_57 = arith.addi %mul3A_56, %get3A_50 : vector<16xi32>
      %add3A_58 = arith.constant 65536 : i32
      %add3A_59 = vector.broadcast %add3A_58 : i32 to vector<16xi32>
      %add3A_60 = arith.addi %add3A_57, %add3A_59 : vector<16xi32>
      %add3A_61 = arith.constant 32 : i32
      %add3A_62 = arith.addi %add3A_61, %scan3A_43 : i32
      %swap3A = arith.index_cast %add3A_62 : i32 to index
      %swap3A_63 = arith.constant 0 : index
      %swap3A_64 = tpu.vector_load %arg10[%swap3A, %swap3A_63] {strides = array<i32>} : memref<96x128xi32, #tpu.memory_space<vmem>>, vector<1x16xi32>,
      %swap3A_65 = vector.shape_cast %swap3A_64 : vector<1x16xi32> to vector<16xi32>
      %swap3A_66 = vector.shape_cast %add3A_60 : vector<16xi32> to vector<1x16xi32>
      tpu.vector_store %arg10[%swap3A, %swap3A_63], %swap3A_66 {strides = array<i32>} : memref<96x128xi32, #tpu.memory_space<vmem>>, vector<1x16xi32>,
      %mul3A_67 = arith.constant 128 : i32
      %mul3A_68 = arith.muli %scan3A_43, %mul3A_67 : i32
      %add3A_69 = arith.constant 16 : i32
      %add3A_70 = arith.addi %mul3A_68, %add3A_69 : i32
      %get3A_71 = arith.index_cast %add3A_70 : i32 to index
      %get3A_72 = tpu.vector_load %arg8[%get3A_71] {strides = array<i32>} : memref<4096xi32, #tpu.memory_space<vmem>>, vector<16xi32>,
      %get3A_73 = vector.shape_cast %get3A_72 : vector<16xi32> to vector<16xi32>
      %get3A_74 = arith.index_cast %add3A_70 : i32 to index
      %get3A_75 = tpu.vector_load %arg9[%get3A_74] {strides = array<i32>} : memref<4096xi32, #tpu.memory_space<vmem>>, vector<16xi32>,
      %get3A_76 = vector.shape_cast %get3A_75 : vector<16xi32> to vector<16xi32>
      %mul3A_77 = arith.constant 256 : i32
      %mul3A_78 = vector.broadcast %mul3A_77 : i32 to vector<16xi32>
      %mul3A_79 = arith.muli %get3A_76, %mul3A_78 : vector<16xi32>
      %add3A_80 = arith.addi %mul3A_79, %get3A_73 : vector<16xi32>
      %add3A_81 = arith.constant 65536 : i32
      %add3A_82 = vector.broadcast %add3A_81 : i32 to vector<16xi32>
      %add3A_83 = arith.addi %add3A_80, %add3A_82 : vector<16xi32>
      %add3A_84 = arith.constant 32 : i32
      %add3A_85 = arith.addi %add3A_84, %scan3A_43 : i32
      %swap3A_86 = arith.index_cast %add3A_85 : i32 to index
      %swap3A_87 = arith.constant 16 : index
      %swap3A_88 = tpu.vector_load %arg10[%swap3A_86, %swap3A_87] {strides = array<i32>} : memref<96x128xi32, #tpu.memory_space<vmem>>, vector<1x16xi32>,
      %swap3A_89 = vector.shape_cast %swap3A_88 : vector<1x16xi32> to vector<16xi32>
      %swap3A_90 = vector.shape_cast %add3A_83 : vector<16xi32> to vector<1x16xi32>
      tpu.vector_store %arg10[%swap3A_86, %swap3A_87], %swap3A_90 {strides = array<i32>} : memref<96x128xi32, #tpu.memory_space<vmem>>, vector<1x16xi32>,
      %mul3A_91 = arith.constant 128 : i32
      %mul3A_92 = arith.muli %scan3A_43, %mul3A_91 : i32
      %add3A_93 = arith.constant 32 : i32
      %add3A_94 = arith.addi %mul3A_92, %add3A_93 : i32
      %get3A_95 = arith.index_cast %add3A_94 : i32 to index
      %get3A_96 = tpu.vector_load %arg8[%get3A_95] {strides = array<i32>} : memref<4096xi32, #tpu.memory_space<vmem>>, vector<16xi32>,
      %get3A_97 = vector.shape_cast %get3A_96 : vector<16xi32> to vector<16xi32>
      %get3A_98 = arith.index_cast %add3A_94 : i32 to index
      %get3A_99 = tpu.vector_load %arg9[%get3A_98] {strides = array<i32>} : memref<4096xi32, #tpu.memory_space<vmem>>, vector<16xi32>,
      %get3A_100 = vector.shape_cast %get3A_99 : vector<16xi32> to vector<16xi32>
      %mul3A_101 = arith.constant 256 : i32
      %mul3A_102 = vector.broadcast %mul3A_101 : i32 to vector<16xi32>
      %mul3A_103 = arith.muli %get3A_100, %mul3A_102 : vector<16xi32>
      %add3A_104 = arith.addi %mul3A_103, %get3A_97 : vector<16xi32>
      %add3A_105 = arith.constant 65536 : i32
      %add3A_106 = vector.broadcast %add3A_105 : i32 to vector<16xi32>
      %add3A_107 = arith.addi %add3A_104, %add3A_106 : vector<16xi32>
      %add3A_108 = arith.constant 32 : i32
      %add3A_109 = arith.addi %add3A_108, %scan3A_43 : i32
      %swap3A_110 = arith.index_cast %add3A_109 : i32 to index
      %swap3A_111 = arith.constant 32 : index
      %swap3A_112 = tpu.vector_load %arg10[%swap3A_110, %swap3A_111] {strides = array<i32>} : memref<96x128xi32, #tpu.memory_space<vmem>>, vector<1x16xi32>,
      %swap3A_113 = vector.shape_cast %swap3A_112 : vector<1x16xi32> to vector<16xi32>
      %swap3A_114 = vector.shape_cast %add3A_107 : vector<16xi32> to vector<1x16xi32>
      tpu.vector_store %arg10[%swap3A_110, %swap3A_111], %swap3A_114 {strides = array<i32>} : memref<96x128xi32, #tpu.memory_space<vmem>>, vector<1x16xi32>,
      %mul3A_115 = arith.constant 128 : i32
      %mul3A_116 = arith.muli %scan3A_43, %mul3A_115 : i32
      %add3A_117 = arith.constant 48 : i32
      %add3A_118 = arith.addi %mul3A_116, %add3A_117 : i32
      %get3A_119 = arith.index_cast %add3A_118 : i32 to index
      %get3A_120 = tpu.vector_load %arg8[%get3A_119] {strides = array<i32>} : memref<4096xi32, #tpu.memory_space<vmem>>, vector<16xi32>,
      %get3A_121 = vector.shape_cast %get3A_120 : vector<16xi32> to vector<16xi32>
      %get3A_122 = arith.index_cast %add3A_118 : i32 to index
      %get3A_123 = tpu.vector_load %arg9[%get3A_122] {strides = array<i32>} : memref<4096xi32, #tpu.memory_space<vmem>>, vector<16xi32>,
      %get3A_124 = vector.shape_cast %get3A_123 : vector<16xi32> to vector<16xi32>
      %mul3A_125 = arith.constant 256 : i32
      %mul3A_126 = vector.broadcast %mul3A_125 : i32 to vector<16xi32>
      %mul3A_127 = arith.muli %get3A_124, %mul3A_126 : vector<16xi32>
      %add3A_128 = arith.addi %mul3A_127, %get3A_121 : vector<16xi32>
      %add3A_129 = arith.constant 65536 : i32
      %add3A_130 = vector.broadcast %add3A_129 : i32 to vector<16xi32>
      %add3A_131 = arith.addi %add3A_128, %add3A_130 : vector<16xi32>
      %add3A_132 = arith.constant 32 : i32
      %add3A_133 = arith.addi %add3A_132, %scan3A_43 : i32
      %swap3A_134 = arith.index_cast %add3A_133 : i32 to index
      %swap3A_135 = arith.constant 48 : index
      %swap3A_136 = tpu.vector_load %arg10[%swap3A_134, %swap3A_135] {strides = array<i32>} : memref<96x128xi32, #tpu.memory_space<vmem>>, vector<1x16xi32>,
      %swap3A_137 = vector.shape_cast %swap3A_136 : vector<1x16xi32> to vector<16xi32>
      %swap3A_138 = vector.shape_cast %add3A_131 : vector<16xi32> to vector<1x16xi32>
      tpu.vector_store %arg10[%swap3A_134, %swap3A_135], %swap3A_138 {strides = array<i32>} : memref<96x128xi32, #tpu.memory_space<vmem>>, vector<1x16xi32>,
      %mul3A_139 = arith.constant 128 : i32
      %mul3A_140 = arith.muli %scan3A_43, %mul3A_139 : i32
      %add3A_141 = arith.constant 64 : i32
      %add3A_142 = arith.addi %mul3A_140, %add3A_141 : i32
      %get3A_143 = arith.index_cast %add3A_142 : i32 to index
      %get3A_144 = tpu.vector_load %arg8[%get3A_143] {strides = array<i32>} : memref<4096xi32, #tpu.memory_space<vmem>>, vector<16xi32>,
      %get3A_145 = vector.shape_cast %get3A_144 : vector<16xi32> to vector<16xi32>
      %get3A_146 = arith.index_cast %add3A_142 : i32 to index
      %get3A_147 = tpu.vector_load %arg9[%get3A_146] {strides = array<i32>} : memref<4096xi32, #tpu.memory_space<vmem>>, vector<16xi32>,
      %get3A_148 = vector.shape_cast %get3A_147 : vector<16xi32> to vector<16xi32>
      %mul3A_149 = arith.constant 256 : i32
      %mul3A_150 = vector.broadcast %mul3A_149 : i32 to vector<16xi32>
      %mul3A_151 = arith.muli %get3A_148, %mul3A_150 : vector<16xi32>
      %add3A_152 = arith.addi %mul3A_151, %get3A_145 : vector<16xi32>
      %add3A_153 = arith.constant 65536 : i32
      %add3A_154 = vector.broadcast %add3A_153 : i32 to vector<16xi32>
      %add3A_155 = arith.addi %add3A_152, %add3A_154 : vector<16xi32>
      %add3A_156 = arith.constant 32 : i32
      %add3A_157 = arith.addi %add3A_156, %scan3A_43 : i32
      %swap3A_158 = arith.index_cast %add3A_157 : i32 to index
      %swap3A_159 = arith.constant 64 : index
      %swap3A_160 = tpu.vector_load %arg10[%swap3A_158, %swap3A_159] {strides = array<i32>} : memref<96x128xi32, #tpu.memory_space<vmem>>, vector<1x16xi32>,
      %swap3A_161 = vector.shape_cast %swap3A_160 : vector<1x16xi32> to vector<16xi32>
      %swap3A_162 = vector.shape_cast %add3A_155 : vector<16xi32> to vector<1x16xi32>
      tpu.vector_store %arg10[%swap3A_158, %swap3A_159], %swap3A_162 {strides = array<i32>} : memref<96x128xi32, #tpu.memory_space<vmem>>, vector<1x16xi32>,
      %mul3A_163 = arith.constant 128 : i32
      %mul3A_164 = arith.muli %scan3A_43, %mul3A_163 : i32
      %add3A_165 = arith.constant 80 : i32
      %add3A_166 = arith.addi %mul3A_164, %add3A_165 : i32
      %get3A_167 = arith.index_cast %add3A_166 : i32 to index
      %get3A_168 = tpu.vector_load %arg8[%get3A_167] {strides = array<i32>} : memref<4096xi32, #tpu.memory_space<vmem>>, vector<16xi32>,
      %get3A_169 = vector.shape_cast %get3A_168 : vector<16xi32> to vector<16xi32>
      %get3A_170 = arith.index_cast %add3A_166 : i32 to index
      %get3A_171 = tpu.vector_load %arg9[%get3A_170] {strides = array<i32>} : memref<4096xi32, #tpu.memory_space<vmem>>, vector<16xi32>,
      %get3A_172 = vector.shape_cast %get3A_171 : vector<16xi32> to vector<16xi32>
      %mul3A_173 = arith.constant 256 : i32
      %mul3A_174 = vector.broadcast %mul3A_173 : i32 to vector<16xi32>
      %mul3A_175 = arith.muli %get3A_172, %mul3A_174 : vector<16xi32>
      %add3A_176 = arith.addi %mul3A_175, %get3A_169 : vector<16xi32>
      %add3A_177 = arith.constant 65536 : i32
      %add3A_178 = vector.broadcast %add3A_177 : i32 to vector<16xi32>
      %add3A_179 = arith.addi %add3A_176, %add3A_178 : vector<16xi32>
      %add3A_180 = arith.constant 32 : i32
      %add3A_181 = arith.addi %add3A_180, %scan3A_43 : i32
      %swap3A_182 = arith.index_cast %add3A_181 : i32 to index
      %swap3A_183 = arith.constant 80 : index
      %swap3A_184 = tpu.vector_load %arg10[%swap3A_182, %swap3A_183] {strides = array<i32>} : memref<96x128xi32, #tpu.memory_space<vmem>>, vector<1x16xi32>,
      %swap3A_185 = vector.shape_cast %swap3A_184 : vector<1x16xi32> to vector<16xi32>
      %swap3A_186 = vector.shape_cast %add3A_179 : vector<16xi32> to vector<1x16xi32>
      tpu.vector_store %arg10[%swap3A_182, %swap3A_183], %swap3A_186 {strides = array<i32>} : memref<96x128xi32, #tpu.memory_space<vmem>>, vector<1x16xi32>,
      %mul3A_187 = arith.constant 128 : i32
      %mul3A_188 = arith.muli %scan3A_43, %mul3A_187 : i32
      %add3A_189 = arith.constant 96 : i32
      %add3A_190 = arith.addi %mul3A_188, %add3A_189 : i32
      %get3A_191 = arith.index_cast %add3A_190 : i32 to index
      %get3A_192 = tpu.vector_load %arg8[%get3A_191] {strides = array<i32>} : memref<4096xi32, #tpu.memory_space<vmem>>, vector<16xi32>,
      %get3A_193 = vector.shape_cast %get3A_192 : vector<16xi32> to vector<16xi32>
      %get3A_194 = arith.index_cast %add3A_190 : i32 to index
      %get3A_195 = tpu.vector_load %arg9[%get3A_194] {strides = array<i32>} : memref<4096xi32, #tpu.memory_space<vmem>>, vector<16xi32>,
      %get3A_196 = vector.shape_cast %get3A_195 : vector<16xi32> to vector<16xi32>
      %mul3A_197 = arith.constant 256 : i32
      %mul3A_198 = vector.broadcast %mul3A_197 : i32 to vector<16xi32>
      %mul3A_199 = arith.muli %get3A_196, %mul3A_198 : vector<16xi32>
      %add3A_200 = arith.addi %mul3A_199, %get3A_193 : vector<16xi32>
      %add3A_201 = arith.constant 65536 : i32
      %add3A_202 = vector.broadcast %add3A_201 : i32 to vector<16xi32>
      %add3A_203 = arith.addi %add3A_200, %add3A_202 : vector<16xi32>
      %add3A_204 = arith.constant 32 : i32
      %add3A_205 = arith.addi %add3A_204, %scan3A_43 : i32
      %swap3A_206 = arith.index_cast %add3A_205 : i32 to index
      %swap3A_207 = arith.constant 96 : index
      %swap3A_208 = tpu.vector_load %arg10[%swap3A_206, %swap3A_207] {strides = array<i32>} : memref<96x128xi32, #tpu.memory_space<vmem>>, vector<1x16xi32>,
      %swap3A_209 = vector.shape_cast %swap3A_208 : vector<1x16xi32> to vector<16xi32>
      %swap3A_210 = vector.shape_cast %add3A_203 : vector<16xi32> to vector<1x16xi32>
      tpu.vector_store %arg10[%swap3A_206, %swap3A_207], %swap3A_210 {strides = array<i32>} : memref<96x128xi32, #tpu.memory_space<vmem>>, vector<1x16xi32>,
      %mul3A_211 = arith.constant 128 : i32
      %mul3A_212 = arith.muli %scan3A_43, %mul3A_211 : i32
      %add3A_213 = arith.constant 112 : i32
      %add3A_214 = arith.addi %mul3A_212, %add3A_213 : i32
      %get3A_215 = arith.index_cast %add3A_214 : i32 to index
      %get3A_216 = tpu.vector_load %arg8[%get3A_215] {strides = array<i32>} : memref<4096xi32, #tpu.memory_space<vmem>>, vector<16xi32>,
      %get3A_217 = vector.shape_cast %get3A_216 : vector<16xi32> to vector<16xi32>
      %get3A_218 = arith.index_cast %add3A_214 : i32 to index
      %get3A_219 = tpu.vector_load %arg9[%get3A_218] {strides = array<i32>} : memref<4096xi32, #tpu.memory_space<vmem>>, vector<16xi32>,
      %get3A_220 = vector.shape_cast %get3A_219 : vector<16xi32> to vector<16xi32>
      %mul3A_221 = arith.constant 256 : i32
      %mul3A_222 = vector.broadcast %mul3A_221 : i32 to vector<16xi32>
      %mul3A_223 = arith.muli %get3A_220, %mul3A_222 : vector<16xi32>
      %add3A_224 = arith.addi %mul3A_223, %get3A_217 : vector<16xi32>
      %add3A_225 = arith.constant 65536 : i32
      %add3A_226 = vector.broadcast %add3A_225 : i32 to vector<16xi32>
      %add3A_227 = arith.addi %add3A_224, %add3A_226 : vector<16xi32>
      %add3A_228 = arith.constant 32 : i32
      %add3A_229 = arith.addi %add3A_228, %scan3A_43 : i32
      %swap3A_230 = arith.index_cast %add3A_229 : i32 to index
      %swap3A_231 = arith.constant 112 : index
      %swap3A_232 = tpu.vector_load %arg10[%swap3A_230, %swap3A_231] {strides = array<i32>} : memref<96x128xi32, #tpu.memory_space<vmem>>, vector<1x16xi32>,
      %swap3A_233 = vector.shape_cast %swap3A_232 : vector<1x16xi32> to vector<16xi32>
      %swap3A_234 = vector.shape_cast %add3A_227 : vector<16xi32> to vector<1x16xi32>
      tpu.vector_store %arg10[%swap3A_230, %swap3A_231], %swap3A_234 {strides = array<i32>} : memref<96x128xi32, #tpu.memory_space<vmem>>, vector<1x16xi32>,
      %scan3A_235 = arith.constant 0 : i32
      scf.yield %scan3A_235 : i32
    }
    %scan3A_20 = arith.constant 32 : i32
    %run_scoped3A_21 = arith.constant 0 : i32
    "tpu.region"() ({
      %run_scoped3A_43 = tpu.sem_alloc : memref<!tpu.dma_semaphore, #tpu.memory_space<semaphore_mem>>
      %dma_start3A = tpu.memref_slice %arg4[%run_scoped3A_21, %mul3A_2] : memref<2x131072xi32, #tpu.memory_space<hbm>> -> memref<1x4096xi32, #tpu.memory_space<hbm>>
      %dma_start3A_44 = tpu.memref_squeeze %dma_start3A : memref<1x4096xi32, #tpu.memory_space<hbm>> -> memref<4096xi32, #tpu.memory_space<hbm>>
      %dma_start3A_45 = tpu.memref_slice %arg4[%run_scoped3A_21, %mul3A_2] : memref<2x131072xi32, #tpu.memory_space<hbm>> -> memref<1x4096xi32, #tpu.memory_space<hbm>>
      %dma_start3A_46 = tpu.memref_squeeze %dma_start3A_45 : memref<1x4096xi32, #tpu.memory_space<hbm>> -> memref<4096xi32, #tpu.memory_space<hbm>>
      tpu.enqueue_dma source(%dma_start3A_46 : memref<4096xi32, #tpu.memory_space<hbm>>) target(%arg8 : memref<4096xi32, #tpu.memory_space<vmem>>) target_semaphore(%run_scoped3A_43 : memref<!tpu.dma_semaphore, #tpu.memory_space<semaphore_mem>>)
      %dma_wait3A = tpu.memref_slice %arg4[%run_scoped3A_21, %mul3A_2] : memref<2x131072xi32, #tpu.memory_space<hbm>> -> memref<1x4096xi32, #tpu.memory_space<hbm>>
      %dma_wait3A_47 = tpu.memref_squeeze %dma_wait3A : memref<1x4096xi32, #tpu.memory_space<hbm>> -> memref<4096xi32, #tpu.memory_space<hbm>>
      %dma_wait3A_48 = tpu.memref_slice %arg4[%run_scoped3A_21, %mul3A_2] : memref<2x131072xi32, #tpu.memory_space<hbm>> -> memref<1x4096xi32, #tpu.memory_space<hbm>>
      %dma_wait3A_49 = tpu.memref_squeeze %dma_wait3A_48 : memref<1x4096xi32, #tpu.memory_space<hbm>> -> memref<4096xi32, #tpu.memory_space<hbm>>
      tpu.wait_dma2 semaphore(%run_scoped3A_43 : memref<!tpu.dma_semaphore, #tpu.memory_space<semaphore_mem>>) src(%dma_wait3A_49 : memref<4096xi32, #tpu.memory_space<hbm>>) dst(%arg8 : memref<4096xi32, #tpu.memory_space<vmem>>)
      tpu.yield
    }) : () -> ()
    %run_scoped3A_22 = arith.constant 1 : i32
    "tpu.region"() ({
      %run_scoped3A_43 = tpu.sem_alloc : memref<!tpu.dma_semaphore, #tpu.memory_space<semaphore_mem>>
      %dma_start3A = tpu.memref_slice %arg4[%run_scoped3A_22, %mul3A_2] : memref<2x131072xi32, #tpu.memory_space<hbm>> -> memref<1x4096xi32, #tpu.memory_space<hbm>>
      %dma_start3A_44 = tpu.memref_squeeze %dma_start3A : memref<1x4096xi32, #tpu.memory_space<hbm>> -> memref<4096xi32, #tpu.memory_space<hbm>>
      %dma_start3A_45 = tpu.memref_slice %arg4[%run_scoped3A_22, %mul3A_2] : memref<2x131072xi32, #tpu.memory_space<hbm>> -> memref<1x4096xi32, #tpu.memory_space<hbm>>
      %dma_start3A_46 = tpu.memref_squeeze %dma_start3A_45 : memref<1x4096xi32, #tpu.memory_space<hbm>> -> memref<4096xi32, #tpu.memory_space<hbm>>
      tpu.enqueue_dma source(%dma_start3A_46 : memref<4096xi32, #tpu.memory_space<hbm>>) target(%arg9 : memref<4096xi32, #tpu.memory_space<vmem>>) target_semaphore(%run_scoped3A_43 : memref<!tpu.dma_semaphore, #tpu.memory_space<semaphore_mem>>)
      %dma_wait3A = tpu.memref_slice %arg4[%run_scoped3A_22, %mul3A_2] : memref<2x131072xi32, #tpu.memory_space<hbm>> -> memref<1x4096xi32, #tpu.memory_space<hbm>>
      %dma_wait3A_47 = tpu.memref_squeeze %dma_wait3A : memref<1x4096xi32, #tpu.memory_space<hbm>> -> memref<4096xi32, #tpu.memory_space<hbm>>
      %dma_wait3A_48 = tpu.memref_slice %arg4[%run_scoped3A_22, %mul3A_2] : memref<2x131072xi32, #tpu.memory_space<hbm>> -> memref<1x4096xi32, #tpu.memory_space<hbm>>
      %dma_wait3A_49 = tpu.memref_squeeze %dma_wait3A_48 : memref<1x4096xi32, #tpu.memory_space<hbm>> -> memref<4096xi32, #tpu.memory_space<hbm>>
      tpu.wait_dma2 semaphore(%run_scoped3A_43 : memref<!tpu.dma_semaphore, #tpu.memory_space<semaphore_mem>>) src(%dma_wait3A_49 : memref<4096xi32, #tpu.memory_space<hbm>>) dst(%arg9 : memref<4096xi32, #tpu.memory_space<vmem>>)
      tpu.yield
    }) : () -> ()
    %scan3A_23 = arith.constant 0 : i32
    %scan3A_24 = arith.constant 0 : i32
    %scan3A_25 = arith.constant 32 : i32
    %scan3A_26 = arith.addi %scan3A_24, %scan3A_25 : i32
    %scan3A_27 = arith.constant 1 : i32
    %scan3A_28 = scf.for %scan3A_43 = %scan3A_24 to %scan3A_26 step %scan3A_27 iter_args(%scan3A_44 = %scan3A_23) -> (i32)  : i32 {
      %mul3A_45 = arith.constant 128 : i32
      %mul3A_46 = arith.muli %scan3A_43, %mul3A_45 : i32
      %add3A_47 = arith.constant 0 : i32
      %add3A_48 = arith.addi %mul3A_46, %add3A_47 : i32
      %get3A = arith.index_cast %add3A_48 : i32 to index
      %get3A_49 = tpu.vector_load %arg8[%get3A] {strides = array<i32>} : memref<4096xi32, #tpu.memory_space<vmem>>, vector<16xi32>,
      %get3A_50 = vector.shape_cast %get3A_49 : vector<16xi32> to vector<16xi32>
      %get3A_51 = arith.index_cast %add3A_48 : i32 to index
      %get3A_52 = tpu.vector_load %arg9[%get3A_51] {strides = array<i32>} : memref<4096xi32, #tpu.memory_space<vmem>>, vector<16xi32>,
      %get3A_53 = vector.shape_cast %get3A_52 : vector<16xi32> to vector<16xi32>
      %mul3A_54 = arith.constant 256 : i32
      %mul3A_55 = vector.broadcast %mul3A_54 : i32 to vector<16xi32>
      %mul3A_56 = arith.muli %get3A_53, %mul3A_55 : vector<16xi32>
      %add3A_57 = arith.addi %mul3A_56, %get3A_50 : vector<16xi32>
      %add3A_58 = arith.constant 131072 : i32
      %add3A_59 = vector.broadcast %add3A_58 : i32 to vector<16xi32>
      %add3A_60 = arith.addi %add3A_57, %add3A_59 : vector<16xi32>
      %add3A_61 = arith.constant 64 : i32
      %add3A_62 = arith.addi %add3A_61, %scan3A_43 : i32
      %swap3A = arith.index_cast %add3A_62 : i32 to index
      %swap3A_63 = arith.constant 0 : index
      %swap3A_64 = tpu.vector_load %arg10[%swap3A, %swap3A_63] {strides = array<i32>} : memref<96x128xi32, #tpu.memory_space<vmem>>, vector<1x16xi32>,
      %swap3A_65 = vector.shape_cast %swap3A_64 : vector<1x16xi32> to vector<16xi32>
      %swap3A_66 = vector.shape_cast %add3A_60 : vector<16xi32> to vector<1x16xi32>
      tpu.vector_store %arg10[%swap3A, %swap3A_63], %swap3A_66 {strides = array<i32>} : memref<96x128xi32, #tpu.memory_space<vmem>>, vector<1x16xi32>,
      %mul3A_67 = arith.constant 128 : i32
      %mul3A_68 = arith.muli %scan3A_43, %mul3A_67 : i32
      %add3A_69 = arith.constant 16 : i32
      %add3A_70 = arith.addi %mul3A_68, %add3A_69 : i32
      %get3A_71 = arith.index_cast %add3A_70 : i32 to index
      %get3A_72 = tpu.vector_load %arg8[%get3A_71] {strides = array<i32>} : memref<4096xi32, #tpu.memory_space<vmem>>, vector<16xi32>,
      %get3A_73 = vector.shape_cast %get3A_72 : vector<16xi32> to vector<16xi32>
      %get3A_74 = arith.index_cast %add3A_70 : i32 to index
      %get3A_75 = tpu.vector_load %arg9[%get3A_74] {strides = array<i32>} : memref<4096xi32, #tpu.memory_space<vmem>>, vector<16xi32>,
      %get3A_76 = vector.shape_cast %get3A_75 : vector<16xi32> to vector<16xi32>
      %mul3A_77 = arith.constant 256 : i32
      %mul3A_78 = vector.broadcast %mul3A_77 : i32 to vector<16xi32>
      %mul3A_79 = arith.muli %get3A_76, %mul3A_78 : vector<16xi32>
      %add3A_80 = arith.addi %mul3A_79, %get3A_73 : vector<16xi32>
      %add3A_81 = arith.constant 131072 : i32
      %add3A_82 = vector.broadcast %add3A_81 : i32 to vector<16xi32>
      %add3A_83 = arith.addi %add3A_80, %add3A_82 : vector<16xi32>
      %add3A_84 = arith.constant 64 : i32
      %add3A_85 = arith.addi %add3A_84, %scan3A_43 : i32
      %swap3A_86 = arith.index_cast %add3A_85 : i32 to index
      %swap3A_87 = arith.constant 16 : index
      %swap3A_88 = tpu.vector_load %arg10[%swap3A_86, %swap3A_87] {strides = array<i32>} : memref<96x128xi32, #tpu.memory_space<vmem>>, vector<1x16xi32>,
      %swap3A_89 = vector.shape_cast %swap3A_88 : vector<1x16xi32> to vector<16xi32>
      %swap3A_90 = vector.shape_cast %add3A_83 : vector<16xi32> to vector<1x16xi32>
      tpu.vector_store %arg10[%swap3A_86, %swap3A_87], %swap3A_90 {strides = array<i32>} : memref<96x128xi32, #tpu.memory_space<vmem>>, vector<1x16xi32>,
      %mul3A_91 = arith.constant 128 : i32
      %mul3A_92 = arith.muli %scan3A_43, %mul3A_91 : i32
      %add3A_93 = arith.constant 32 : i32
      %add3A_94 = arith.addi %mul3A_92, %add3A_93 : i32
      %get3A_95 = arith.index_cast %add3A_94 : i32 to index
      %get3A_96 = tpu.vector_load %arg8[%get3A_95] {strides = array<i32>} : memref<4096xi32, #tpu.memory_space<vmem>>, vector<16xi32>,
      %get3A_97 = vector.shape_cast %get3A_96 : vector<16xi32> to vector<16xi32>
      %get3A_98 = arith.index_cast %add3A_94 : i32 to index
      %get3A_99 = tpu.vector_load %arg9[%get3A_98] {strides = array<i32>} : memref<4096xi32, #tpu.memory_space<vmem>>, vector<16xi32>,
      %get3A_100 = vector.shape_cast %get3A_99 : vector<16xi32> to vector<16xi32>
      %mul3A_101 = arith.constant 256 : i32
      %mul3A_102 = vector.broadcast %mul3A_101 : i32 to vector<16xi32>
      %mul3A_103 = arith.muli %get3A_100, %mul3A_102 : vector<16xi32>
      %add3A_104 = arith.addi %mul3A_103, %get3A_97 : vector<16xi32>
      %add3A_105 = arith.constant 131072 : i32
      %add3A_106 = vector.broadcast %add3A_105 : i32 to vector<16xi32>
      %add3A_107 = arith.addi %add3A_104, %add3A_106 : vector<16xi32>
      %add3A_108 = arith.constant 64 : i32
      %add3A_109 = arith.addi %add3A_108, %scan3A_43 : i32
      %swap3A_110 = arith.index_cast %add3A_109 : i32 to index
      %swap3A_111 = arith.constant 32 : index
      %swap3A_112 = tpu.vector_load %arg10[%swap3A_110, %swap3A_111] {strides = array<i32>} : memref<96x128xi32, #tpu.memory_space<vmem>>, vector<1x16xi32>,
      %swap3A_113 = vector.shape_cast %swap3A_112 : vector<1x16xi32> to vector<16xi32>
      %swap3A_114 = vector.shape_cast %add3A_107 : vector<16xi32> to vector<1x16xi32>
      tpu.vector_store %arg10[%swap3A_110, %swap3A_111], %swap3A_114 {strides = array<i32>} : memref<96x128xi32, #tpu.memory_space<vmem>>, vector<1x16xi32>,
      %mul3A_115 = arith.constant 128 : i32
      %mul3A_116 = arith.muli %scan3A_43, %mul3A_115 : i32
      %add3A_117 = arith.constant 48 : i32
      %add3A_118 = arith.addi %mul3A_116, %add3A_117 : i32
      %get3A_119 = arith.index_cast %add3A_118 : i32 to index
      %get3A_120 = tpu.vector_load %arg8[%get3A_119] {strides = array<i32>} : memref<4096xi32, #tpu.memory_space<vmem>>, vector<16xi32>,
      %get3A_121 = vector.shape_cast %get3A_120 : vector<16xi32> to vector<16xi32>
      %get3A_122 = arith.index_cast %add3A_118 : i32 to index
      %get3A_123 = tpu.vector_load %arg9[%get3A_122] {strides = array<i32>} : memref<4096xi32, #tpu.memory_space<vmem>>, vector<16xi32>,
      %get3A_124 = vector.shape_cast %get3A_123 : vector<16xi32> to vector<16xi32>
      %mul3A_125 = arith.constant 256 : i32
      %mul3A_126 = vector.broadcast %mul3A_125 : i32 to vector<16xi32>
      %mul3A_127 = arith.muli %get3A_124, %mul3A_126 : vector<16xi32>
      %add3A_128 = arith.addi %mul3A_127, %get3A_121 : vector<16xi32>
      %add3A_129 = arith.constant 131072 : i32
      %add3A_130 = vector.broadcast %add3A_129 : i32 to vector<16xi32>
      %add3A_131 = arith.addi %add3A_128, %add3A_130 : vector<16xi32>
      %add3A_132 = arith.constant 64 : i32
      %add3A_133 = arith.addi %add3A_132, %scan3A_43 : i32
      %swap3A_134 = arith.index_cast %add3A_133 : i32 to index
      %swap3A_135 = arith.constant 48 : index
      %swap3A_136 = tpu.vector_load %arg10[%swap3A_134, %swap3A_135] {strides = array<i32>} : memref<96x128xi32, #tpu.memory_space<vmem>>, vector<1x16xi32>,
      %swap3A_137 = vector.shape_cast %swap3A_136 : vector<1x16xi32> to vector<16xi32>
      %swap3A_138 = vector.shape_cast %add3A_131 : vector<16xi32> to vector<1x16xi32>
      tpu.vector_store %arg10[%swap3A_134, %swap3A_135], %swap3A_138 {strides = array<i32>} : memref<96x128xi32, #tpu.memory_space<vmem>>, vector<1x16xi32>,
      %mul3A_139 = arith.constant 128 : i32
      %mul3A_140 = arith.muli %scan3A_43, %mul3A_139 : i32
      %add3A_141 = arith.constant 64 : i32
      %add3A_142 = arith.addi %mul3A_140, %add3A_141 : i32
      %get3A_143 = arith.index_cast %add3A_142 : i32 to index
      %get3A_144 = tpu.vector_load %arg8[%get3A_143] {strides = array<i32>} : memref<4096xi32, #tpu.memory_space<vmem>>, vector<16xi32>,
      %get3A_145 = vector.shape_cast %get3A_144 : vector<16xi32> to vector<16xi32>
      %get3A_146 = arith.index_cast %add3A_142 : i32 to index
      %get3A_147 = tpu.vector_load %arg9[%get3A_146] {strides = array<i32>} : memref<4096xi32, #tpu.memory_space<vmem>>, vector<16xi32>,
      %get3A_148 = vector.shape_cast %get3A_147 : vector<16xi32> to vector<16xi32>
      %mul3A_149 = arith.constant 256 : i32
      %mul3A_150 = vector.broadcast %mul3A_149 : i32 to vector<16xi32>
      %mul3A_151 = arith.muli %get3A_148, %mul3A_150 : vector<16xi32>
      %add3A_152 = arith.addi %mul3A_151, %get3A_145 : vector<16xi32>
      %add3A_153 = arith.constant 131072 : i32
      %add3A_154 = vector.broadcast %add3A_153 : i32 to vector<16xi32>
      %add3A_155 = arith.addi %add3A_152, %add3A_154 : vector<16xi32>
      %add3A_156 = arith.constant 64 : i32
      %add3A_157 = arith.addi %add3A_156, %scan3A_43 : i32
      %swap3A_158 = arith.index_cast %add3A_157 : i32 to index
      %swap3A_159 = arith.constant 64 : index
      %swap3A_160 = tpu.vector_load %arg10[%swap3A_158, %swap3A_159] {strides = array<i32>} : memref<96x128xi32, #tpu.memory_space<vmem>>, vector<1x16xi32>,
      %swap3A_161 = vector.shape_cast %swap3A_160 : vector<1x16xi32> to vector<16xi32>
      %swap3A_162 = vector.shape_cast %add3A_155 : vector<16xi32> to vector<1x16xi32>
      tpu.vector_store %arg10[%swap3A_158, %swap3A_159], %swap3A_162 {strides = array<i32>} : memref<96x128xi32, #tpu.memory_space<vmem>>, vector<1x16xi32>,
      %mul3A_163 = arith.constant 128 : i32
      %mul3A_164 = arith.muli %scan3A_43, %mul3A_163 : i32
      %add3A_165 = arith.constant 80 : i32
      %add3A_166 = arith.addi %mul3A_164, %add3A_165 : i32
      %get3A_167 = arith.index_cast %add3A_166 : i32 to index
      %get3A_168 = tpu.vector_load %arg8[%get3A_167] {strides = array<i32>} : memref<4096xi32, #tpu.memory_space<vmem>>, vector<16xi32>,
      %get3A_169 = vector.shape_cast %get3A_168 : vector<16xi32> to vector<16xi32>
      %get3A_170 = arith.index_cast %add3A_166 : i32 to index
      %get3A_171 = tpu.vector_load %arg9[%get3A_170] {strides = array<i32>} : memref<4096xi32, #tpu.memory_space<vmem>>, vector<16xi32>,
      %get3A_172 = vector.shape_cast %get3A_171 : vector<16xi32> to vector<16xi32>
      %mul3A_173 = arith.constant 256 : i32
      %mul3A_174 = vector.broadcast %mul3A_173 : i32 to vector<16xi32>
      %mul3A_175 = arith.muli %get3A_172, %mul3A_174 : vector<16xi32>
      %add3A_176 = arith.addi %mul3A_175, %get3A_169 : vector<16xi32>
      %add3A_177 = arith.constant 131072 : i32
      %add3A_178 = vector.broadcast %add3A_177 : i32 to vector<16xi32>
      %add3A_179 = arith.addi %add3A_176, %add3A_178 : vector<16xi32>
      %add3A_180 = arith.constant 64 : i32
      %add3A_181 = arith.addi %add3A_180, %scan3A_43 : i32
      %swap3A_182 = arith.index_cast %add3A_181 : i32 to index
      %swap3A_183 = arith.constant 80 : index
      %swap3A_184 = tpu.vector_load %arg10[%swap3A_182, %swap3A_183] {strides = array<i32>} : memref<96x128xi32, #tpu.memory_space<vmem>>, vector<1x16xi32>,
      %swap3A_185 = vector.shape_cast %swap3A_184 : vector<1x16xi32> to vector<16xi32>
      %swap3A_186 = vector.shape_cast %add3A_179 : vector<16xi32> to vector<1x16xi32>
      tpu.vector_store %arg10[%swap3A_182, %swap3A_183], %swap3A_186 {strides = array<i32>} : memref<96x128xi32, #tpu.memory_space<vmem>>, vector<1x16xi32>,
      %mul3A_187 = arith.constant 128 : i32
      %mul3A_188 = arith.muli %scan3A_43, %mul3A_187 : i32
      %add3A_189 = arith.constant 96 : i32
      %add3A_190 = arith.addi %mul3A_188, %add3A_189 : i32
      %get3A_191 = arith.index_cast %add3A_190 : i32 to index
      %get3A_192 = tpu.vector_load %arg8[%get3A_191] {strides = array<i32>} : memref<4096xi32, #tpu.memory_space<vmem>>, vector<16xi32>,
      %get3A_193 = vector.shape_cast %get3A_192 : vector<16xi32> to vector<16xi32>
      %get3A_194 = arith.index_cast %add3A_190 : i32 to index
      %get3A_195 = tpu.vector_load %arg9[%get3A_194] {strides = array<i32>} : memref<4096xi32, #tpu.memory_space<vmem>>, vector<16xi32>,
      %get3A_196 = vector.shape_cast %get3A_195 : vector<16xi32> to vector<16xi32>
      %mul3A_197 = arith.constant 256 : i32
      %mul3A_198 = vector.broadcast %mul3A_197 : i32 to vector<16xi32>
      %mul3A_199 = arith.muli %get3A_196, %mul3A_198 : vector<16xi32>
      %add3A_200 = arith.addi %mul3A_199, %get3A_193 : vector<16xi32>
      %add3A_201 = arith.constant 131072 : i32
      %add3A_202 = vector.broadcast %add3A_201 : i32 to vector<16xi32>
      %add3A_203 = arith.addi %add3A_200, %add3A_202 : vector<16xi32>
      %add3A_204 = arith.constant 64 : i32
      %add3A_205 = arith.addi %add3A_204, %scan3A_43 : i32
      %swap3A_206 = arith.index_cast %add3A_205 : i32 to index
      %swap3A_207 = arith.constant 96 : index
      %swap3A_208 = tpu.vector_load %arg10[%swap3A_206, %swap3A_207] {strides = array<i32>} : memref<96x128xi32, #tpu.memory_space<vmem>>, vector<1x16xi32>,
      %swap3A_209 = vector.shape_cast %swap3A_208 : vector<1x16xi32> to vector<16xi32>
      %swap3A_210 = vector.shape_cast %add3A_203 : vector<16xi32> to vector<1x16xi32>
      tpu.vector_store %arg10[%swap3A_206, %swap3A_207], %swap3A_210 {strides = array<i32>} : memref<96x128xi32, #tpu.memory_space<vmem>>, vector<1x16xi32>,
      %mul3A_211 = arith.constant 128 : i32
      %mul3A_212 = arith.muli %scan3A_43, %mul3A_211 : i32
      %add3A_213 = arith.constant 112 : i32
      %add3A_214 = arith.addi %mul3A_212, %add3A_213 : i32
      %get3A_215 = arith.index_cast %add3A_214 : i32 to index
      %get3A_216 = tpu.vector_load %arg8[%get3A_215] {strides = array<i32>} : memref<4096xi32, #tpu.memory_space<vmem>>, vector<16xi32>,
      %get3A_217 = vector.shape_cast %get3A_216 : vector<16xi32> to vector<16xi32>
      %get3A_218 = arith.index_cast %add3A_214 : i32 to index
      %get3A_219 = tpu.vector_load %arg9[%get3A_218] {strides = array<i32>} : memref<4096xi32, #tpu.memory_space<vmem>>, vector<16xi32>,
      %get3A_220 = vector.shape_cast %get3A_219 : vector<16xi32> to vector<16xi32>
      %mul3A_221 = arith.constant 256 : i32
      %mul3A_222 = vector.broadcast %mul3A_221 : i32 to vector<16xi32>
      %mul3A_223 = arith.muli %get3A_220, %mul3A_222 : vector<16xi32>
      %add3A_224 = arith.addi %mul3A_223, %get3A_217 : vector<16xi32>
      %add3A_225 = arith.constant 131072 : i32
      %add3A_226 = vector.broadcast %add3A_225 : i32 to vector<16xi32>
      %add3A_227 = arith.addi %add3A_224, %add3A_226 : vector<16xi32>
      %add3A_228 = arith.constant 64 : i32
      %add3A_229 = arith.addi %add3A_228, %scan3A_43 : i32
      %swap3A_230 = arith.index_cast %add3A_229 : i32 to index
      %swap3A_231 = arith.constant 112 : index
      %swap3A_232 = tpu.vector_load %arg10[%swap3A_230, %swap3A_231] {strides = array<i32>} : memref<96x128xi32, #tpu.memory_space<vmem>>, vector<1x16xi32>,
      %swap3A_233 = vector.shape_cast %swap3A_232 : vector<1x16xi32> to vector<16xi32>
      %swap3A_234 = vector.shape_cast %add3A_227 : vector<16xi32> to vector<1x16xi32>
      tpu.vector_store %arg10[%swap3A_230, %swap3A_231], %swap3A_234 {strides = array<i32>} : memref<96x128xi32, #tpu.memory_space<vmem>>, vector<1x16xi32>,
      %scan3A_235 = arith.constant 0 : i32
      scf.yield %scan3A_235 : i32
    }
    %scan3A_29 = arith.constant 32 : i32
    %barrier3A = arith.constant 0 : index
    tpu.barrier barrier_id(%barrier3A)
    %scan3A_30 = arith.constant 0 : i32
    %scan3A_31 = arith.constant 0 : i32
    %scan3A_32 = arith.constant 96 : i32
    %scan3A_33 = arith.addi %scan3A_31, %scan3A_32 : i32
    %scan3A_34 = arith.constant 1 : i32
    %scan3A_35 = scf.for %scan3A_43 = %scan3A_31 to %scan3A_33 step %scan3A_34 iter_args(%scan3A_44 = %scan3A_30) -> (i32)  : i32 {
      "tpu.region"() ({
        %run_scoped3A_46 = tpu.sem_alloc : memref<!tpu.dma_semaphore, #tpu.memory_space<semaphore_mem>>
        %dma_start3A = arith.constant 0 : i32
        %dma_start3A_47 = tpu.memref_slice %arg10[%scan3A_43, %dma_start3A] : memref<96x128xi32, #tpu.memory_space<vmem>> -> memref<1x128xi32, #tpu.memory_space<vmem>>
        %dma_start3A_48 = tpu.memref_squeeze %dma_start3A_47 : memref<1x128xi32, #tpu.memory_space<vmem>> -> memref<128xi32, #tpu.memory_space<vmem>>
        %dma_start3A_49 = arith.constant 0 : i32
        %dma_start3A_50 = tpu.memref_slice %arg12[%dma_start3A_49] : memref<196608xf32, #tpu.memory_space<vmem_shared>> -> memref<196608xf32, #tpu.memory_space<vmem_shared>>
        tpu.enqueue_indirect_dma source(%arg11 : memref<128xf32, #tpu.memory_space<vmem>>) target(%dma_start3A_50 : memref<196608xf32, #tpu.memory_space<vmem_shared>>) offsets(%dma_start3A_48 : memref<128xi32, #tpu.memory_space<vmem>>) semaphore(%run_scoped3A_46 : memref<!tpu.dma_semaphore, #tpu.memory_space<semaphore_mem>>) {add = true}
        %dma_wait3A = arith.constant 0 : i32
        %dma_wait3A_51 = tpu.memref_slice %arg10[%scan3A_43, %dma_wait3A] : memref<96x128xi32, #tpu.memory_space<vmem>> -> memref<1x128xi32, #tpu.memory_space<vmem>>
        %dma_wait3A_52 = tpu.memref_squeeze %dma_wait3A_51 : memref<1x128xi32, #tpu.memory_space<vmem>> -> memref<128xi32, #tpu.memory_space<vmem>>
        %dma_wait3A_53 = arith.constant 0 : i32
        %dma_wait3A_54 = tpu.memref_slice %arg12[%dma_wait3A_53] : memref<196608xf32, #tpu.memory_space<vmem_shared>> -> memref<196608xf32, #tpu.memory_space<vmem_shared>>
        tpu.wait_indirect_dma semaphore(%run_scoped3A_46 : memref<!tpu.dma_semaphore, #tpu.memory_space<semaphore_mem>>) src(%arg11 : memref<128xf32, #tpu.memory_space<vmem>>) dst(%dma_wait3A_54 : memref<196608xf32, #tpu.memory_space<vmem_shared>>)
        tpu.yield
      }) : () -> ()
      %scan3A_45 = arith.constant 0 : i32
      scf.yield %scan3A_45 : i32
    }
    %scan3A_36 = arith.constant 96 : i32
    %barrier3A_37 = arith.constant 0 : index
    tpu.barrier barrier_id(%barrier3A_37)
    %eq3A_38 = arith.constant 0 : i32
    %eq3A_39 = arith.cmpi eq, %arg1, %eq3A_38 : i32
    %convert_element_type3A_40 = arith.extui %eq3A_39 : i1 to i32
    %cond3A_41 = arith.constant 0 : i32
    %cond3A_42 = arith.cmpi ne, %convert_element_type3A_40, %cond3A_41 : i32
    scf.if %cond3A_42 {
      "tpu.region"() ({
        %run_scoped3A_43 = tpu.sem_alloc : memref<!tpu.dma_semaphore, #tpu.memory_space<semaphore_mem>>
        %dma_start3A = arith.constant 0 : i32
        %dma_start3A_44 = tpu.memref_slice %arg7[%arg0, %dma_start3A] : memref<2x196608xf32, #tpu.memory_space<hbm>> -> memref<1x196608xf32, #tpu.memory_space<hbm>>
        %dma_start3A_45 = tpu.memref_squeeze %dma_start3A_44 : memref<1x196608xf32, #tpu.memory_space<hbm>> -> memref<196608xf32, #tpu.memory_space<hbm>>
        tpu.enqueue_dma source(%arg12 : memref<196608xf32, #tpu.memory_space<vmem_shared>>) target(%dma_start3A_45 : memref<196608xf32, #tpu.memory_space<hbm>>) target_semaphore(%run_scoped3A_43 : memref<!tpu.dma_semaphore, #tpu.memory_space<semaphore_mem>>)
        %dma_wait3A = arith.constant 0 : i32
        %dma_wait3A_46 = tpu.memref_slice %arg7[%arg0, %dma_wait3A] : memref<2x196608xf32, #tpu.memory_space<hbm>> -> memref<1x196608xf32, #tpu.memory_space<hbm>>
        %dma_wait3A_47 = tpu.memref_squeeze %dma_wait3A_46 : memref<1x196608xf32, #tpu.memory_space<hbm>> -> memref<196608xf32, #tpu.memory_space<hbm>>
        tpu.wait_dma2 semaphore(%run_scoped3A_43 : memref<!tpu.dma_semaphore, #tpu.memory_space<semaphore_mem>>) src(%arg12 : memref<196608xf32, #tpu.memory_space<vmem_shared>>) dst(%dma_wait3A_47 : memref<196608xf32, #tpu.memory_space<hbm>>)
        tpu.yield
      }) : () -> ()
    } else {
    }
    return
  }
}

module attributes {stable_mosaic.version = 14 : i64} {
  func.func @_dense_kernel(%arg0: memref<2x256x256xf32, #tpu.memory_space<vmem>>, %arg1: memref<2x256x256xf32, #tpu.memory_space<vmem>>, %arg2: memref<2x256x256xf32, #tpu.memory_space<vmem>>, %arg3: memref<256x256xf32, #tpu.memory_space<vmem>>, %arg4: memref<256x256xf32, #tpu.memory_space<vmem>>, %arg5: memref<1x256xf32, #tpu.memory_space<vmem>>, %arg6: memref<256x256xf32, #tpu.memory_space<vmem>>, %arg7: memref<1x256xf32, #tpu.memory_space<vmem>>, %arg8: memref<256x256xf32, #tpu.memory_space<vmem>>, %arg9: memref<1x256xf32, #tpu.memory_space<vmem>>, %arg10: memref<256x256xf32, #tpu.memory_space<vmem>>, %arg11: memref<1x256xf32, #tpu.memory_space<vmem>>, %arg12: memref<256x128xf32, #tpu.memory_space<vmem>>, %arg13: memref<1x128xf32, #tpu.memory_space<vmem>>, %arg14: memref<128x64xf32, #tpu.memory_space<vmem>>, %arg15: memref<1x64xf32, #tpu.memory_space<vmem>>, %arg16: memref<256x64xf32, #tpu.memory_space<vmem>>, %arg17: memref<256x256xf32, #tpu.memory_space<vmem>>) attributes {dimension_semantics = [], scalar_prefetch = 0 : i64, scratch_operands = 1 : i64, tpu.core_type = #tpu.core_type<tc>} {
    %broadcast_in_dim3A = arith.constant 1.000000e+00 : f32
    %broadcast_in_dim3A_0 = vector.broadcast %broadcast_in_dim3A : f32 to vector<256x1xf32>
    %get3A = arith.constant 0 : index
    %get3A_1 = arith.constant 0 : index
    %get3A_2 = arith.constant 0 : index
    %get3A_3 = vector.load %arg0[%get3A, %get3A_1, %get3A_2] : memref<2x256x256xf32, #tpu.memory_space<vmem>>, vector<1x256x256xf32>
    %get3A_4 = vector.shape_cast %get3A_3 : vector<1x256x256xf32> to vector<256x256xf32>
    %get3A_5 = arith.constant 1 : index
    %get3A_6 = arith.constant 0 : index
    %get3A_7 = arith.constant 0 : index
    %get3A_8 = vector.load %arg0[%get3A_5, %get3A_6, %get3A_7] : memref<2x256x256xf32, #tpu.memory_space<vmem>>, vector<1x256x256xf32>
    %get3A_9 = vector.shape_cast %get3A_8 : vector<1x256x256xf32> to vector<256x256xf32>
    %add3A = arith.addf %get3A_4, %get3A_9 : vector<256x256xf32>
    %get3A_10 = arith.constant 0 : index
    %get3A_11 = arith.constant 0 : index
    %get3A_12 = arith.constant 0 : index
    %get3A_13 = vector.load %arg1[%get3A_10, %get3A_11, %get3A_12] : memref<2x256x256xf32, #tpu.memory_space<vmem>>, vector<1x256x256xf32>
    %get3A_14 = vector.shape_cast %get3A_13 : vector<1x256x256xf32> to vector<256x256xf32>
    %get3A_15 = arith.constant 1 : index
    %get3A_16 = arith.constant 0 : index
    %get3A_17 = arith.constant 0 : index
    %get3A_18 = vector.load %arg1[%get3A_15, %get3A_16, %get3A_17] : memref<2x256x256xf32, #tpu.memory_space<vmem>>, vector<1x256x256xf32>
    %get3A_19 = vector.shape_cast %get3A_18 : vector<1x256x256xf32> to vector<256x256xf32>
    %add3A_20 = arith.addf %get3A_14, %get3A_19 : vector<256x256xf32>
    %get3A_21 = arith.constant 0 : index
    %get3A_22 = arith.constant 0 : index
    %get3A_23 = arith.constant 0 : index
    %get3A_24 = vector.load %arg2[%get3A_21, %get3A_22, %get3A_23] : memref<2x256x256xf32, #tpu.memory_space<vmem>>, vector<1x256x256xf32>
    %get3A_25 = vector.shape_cast %get3A_24 : vector<1x256x256xf32> to vector<256x256xf32>
    %get3A_26 = arith.constant 1 : index
    %get3A_27 = arith.constant 0 : index
    %get3A_28 = arith.constant 0 : index
    %get3A_29 = vector.load %arg2[%get3A_26, %get3A_27, %get3A_28] : memref<2x256x256xf32, #tpu.memory_space<vmem>>, vector<1x256x256xf32>
    %get3A_30 = vector.shape_cast %get3A_29 : vector<1x256x256xf32> to vector<256x256xf32>
    %add3A_31 = arith.addf %get3A_25, %get3A_30 : vector<256x256xf32>
    %dot_general3A = arith.constant dense<0.000000e+00> : vector<256x1xf32>
    %dot_general3A_32 = tpu.matmul %add3A, %broadcast_in_dim3A_0, %dot_general3A {dimension_numbers = #tpu.dot_dimension_numbers<[1], [0], [0], [1], [0, 0, 1, 1], [], []>, transpose_lhs_hint = false} : vector<256x256xf32>, vector<256x1xf32>, vector<256x1xf32> -> vector<256x1xf32>
    %dot_general3A_33 = arith.constant dense<0.000000e+00> : vector<256x1xf32>
    %dot_general3A_34 = tpu.matmul %add3A, %broadcast_in_dim3A_0, %dot_general3A_33 {dimension_numbers = #tpu.dot_dimension_numbers<[0], [0], [1], [1], [0, 1, 1, 1], [], []>, transpose_lhs_hint = false} : vector<256x256xf32>, vector<256x1xf32>, vector<256x1xf32> -> vector<256x1xf32>
    %gt3A = arith.constant 0.000000e+00 : f32
    %gt3A_35 = vector.broadcast %gt3A : f32 to vector<256x1xf32>
    %gt3A_36 = arith.cmpf ogt, %dot_general3A_32, %gt3A_35 : vector<256x1xf32>
    %div3A = arith.constant 1.000000e+00 : f32
    %div3A_37 = vector.broadcast %div3A : f32 to vector<256x1xf32>
    %div3A_38 = arith.divf %div3A_37, %dot_general3A_32 : vector<256x1xf32>
    %jit3A = arith.constant 0.000000e+00 : f32
    %broadcast_in_dim3A_39 = vector.broadcast %jit3A : f32 to vector<256x1xf32>
    %select_n3A = arith.select %gt3A_36, %div3A_38, %broadcast_in_dim3A_39 : vector<256x1xi1>, vector<256x1xf32>
    %gt3A_40 = arith.constant 0.000000e+00 : f32
    %gt3A_41 = vector.broadcast %gt3A_40 : f32 to vector<256x1xf32>
    %gt3A_42 = arith.cmpf ogt, %dot_general3A_34, %gt3A_41 : vector<256x1xf32>
    %div3A_43 = arith.constant 1.000000e+00 : f32
    %div3A_44 = vector.broadcast %div3A_43 : f32 to vector<256x1xf32>
    %div3A_45 = arith.divf %div3A_44, %dot_general3A_34 : vector<256x1xf32>
    %jit3A_46 = arith.constant 0.000000e+00 : f32
    %broadcast_in_dim3A_47 = vector.broadcast %jit3A_46 : f32 to vector<256x1xf32>
    %select_n3A_48 = arith.select %gt3A_42, %div3A_45, %broadcast_in_dim3A_47 : vector<256x1xi1>, vector<256x1xf32>
    %get3A_49 = arith.constant 0 : index
    %get3A_50 = arith.constant 0 : index
    %get3A_51 = vector.load %arg3[%get3A_49, %get3A_50] : memref<256x256xf32, #tpu.memory_space<vmem>>, vector<256x256xf32>
    %get3A_52 = arith.constant 0 : index
    %get3A_53 = arith.constant 0 : index
    %get3A_54 = vector.load %arg4[%get3A_52, %get3A_53] : memref<256x256xf32, #tpu.memory_space<vmem>>, vector<256x256xf32>
    %dot_general3A_55 = arith.constant dense<0.000000e+00> : vector<256x256xf32>
    %dot_general3A_56 = tpu.matmul %get3A_51, %get3A_54, %dot_general3A_55 {dimension_numbers = #tpu.dot_dimension_numbers<[1], [0], [0], [1], [0, 0, 1, 1], [], []>, transpose_lhs_hint = false} : vector<256x256xf32>, vector<256x256xf32>, vector<256x256xf32> -> vector<256x256xf32>
    %dot_general3A_57 = arith.constant dense<0.000000e+00> : vector<256x256xf32>
    %dot_general3A_58 = tpu.matmul %add3A, %dot_general3A_56, %dot_general3A_57 {dimension_numbers = #tpu.dot_dimension_numbers<[1], [0], [0], [1], [0, 0, 1, 1], [], []>, transpose_lhs_hint = false} : vector<256x256xf32>, vector<256x256xf32>, vector<256x256xf32> -> vector<256x256xf32>
    %mul3A = vector.broadcast %select_n3A : vector<256x1xf32> to vector<256x256xf32>
    %mul3A_59 = arith.mulf %dot_general3A_58, %mul3A : vector<256x256xf32>
    %dot_general3A_60 = arith.constant dense<0.000000e+00> : vector<256x256xf32>
    %dot_general3A_61 = tpu.matmul %add3A, %mul3A_59, %dot_general3A_60 {dimension_numbers = #tpu.dot_dimension_numbers<[0], [0], [1], [1], [0, 1, 1, 1], [], []>, transpose_lhs_hint = false} : vector<256x256xf32>, vector<256x256xf32>, vector<256x256xf32> -> vector<256x256xf32>
    %mul3A_62 = vector.broadcast %select_n3A_48 : vector<256x1xf32> to vector<256x256xf32>
    %mul3A_63 = arith.mulf %dot_general3A_61, %mul3A_62 : vector<256x256xf32>
    %get3A_64 = arith.constant 0 : index
    %get3A_65 = arith.constant 0 : index
    %get3A_66 = vector.load %arg5[%get3A_64, %get3A_65] : memref<1x256xf32, #tpu.memory_space<vmem>>, vector<1x256xf32>
    %add3A_67 = vector.broadcast %get3A_66 : vector<1x256xf32> to vector<256x256xf32>
    %add3A_68 = arith.addf %mul3A_63, %add3A_67 : vector<256x256xf32>
    %ge3A = arith.constant 0.000000e+00 : f32
    %ge3A_69 = vector.broadcast %ge3A : f32 to vector<256x256xf32>
    %ge3A_70 = arith.cmpf oge, %add3A_68, %ge3A_69 : vector<256x256xf32>
    %mul3A_71 = arith.constant 0.00999999977 : f32
    %mul3A_72 = vector.broadcast %mul3A_71 : f32 to vector<256x256xf32>
    %mul3A_73 = arith.mulf %mul3A_72, %add3A_68 : vector<256x256xf32>
    %select_n3A_74 = arith.select %ge3A_70, %add3A_68, %mul3A_73 : vector<256x256xi1>, vector<256x256xf32>
    %dot_general3A_75 = arith.constant dense<0.000000e+00> : vector<256x256xf32>
    %dot_general3A_76 = tpu.matmul %select_n3A_74, %select_n3A_74, %dot_general3A_75 {dimension_numbers = #tpu.dot_dimension_numbers<[0], [0], [1], [1], [0, 1, 1, 1], [], []>, transpose_lhs_hint = false} : vector<256x256xf32>, vector<256x256xf32>, vector<256x256xf32> -> vector<256x256xf32>
    %get3A_77 = arith.constant 0 : index
    %get3A_78 = arith.constant 0 : index
    %get3A_79 = vector.load %arg6[%get3A_77, %get3A_78] : memref<256x256xf32, #tpu.memory_space<vmem>>, vector<256x256xf32>
    %dot_general3A_80 = arith.constant dense<0.000000e+00> : vector<256x256xf32>
    %dot_general3A_81 = tpu.matmul %dot_general3A_76, %get3A_79, %dot_general3A_80 {dimension_numbers = #tpu.dot_dimension_numbers<[1], [0], [0], [1], [0, 0, 1, 1], [], []>, transpose_lhs_hint = false} : vector<256x256xf32>, vector<256x256xf32>, vector<256x256xf32> -> vector<256x256xf32>
    %get3A_82 = arith.constant 0 : index
    %get3A_83 = arith.constant 0 : index
    %get3A_84 = vector.load %arg7[%get3A_82, %get3A_83] : memref<1x256xf32, #tpu.memory_space<vmem>>, vector<1x256xf32>
    %add3A_85 = vector.broadcast %get3A_84 : vector<1x256xf32> to vector<256x256xf32>
    %add3A_86 = arith.addf %dot_general3A_81, %add3A_85 : vector<256x256xf32>
    %ge3A_87 = arith.constant 0.000000e+00 : f32
    %ge3A_88 = vector.broadcast %ge3A_87 : f32 to vector<256x256xf32>
    %ge3A_89 = arith.cmpf oge, %add3A_86, %ge3A_88 : vector<256x256xf32>
    %mul3A_90 = arith.constant 0.00999999977 : f32
    %mul3A_91 = vector.broadcast %mul3A_90 : f32 to vector<256x256xf32>
    %mul3A_92 = arith.mulf %mul3A_91, %add3A_86 : vector<256x256xf32>
    %select_n3A_93 = arith.select %ge3A_89, %add3A_86, %mul3A_92 : vector<256x256xi1>, vector<256x256xf32>
    %dot_general3A_94 = arith.constant dense<0.000000e+00> : vector<256x256xf32>
    %dot_general3A_95 = tpu.matmul %add3A, %select_n3A_93, %dot_general3A_94 {dimension_numbers = #tpu.dot_dimension_numbers<[1], [0], [0], [1], [0, 0, 1, 1], [], []>, transpose_lhs_hint = false} : vector<256x256xf32>, vector<256x256xf32>, vector<256x256xf32> -> vector<256x256xf32>
    %max3A = arith.constant 1.000000e+00 : f32
    %max3A_96 = vector.broadcast %max3A : f32 to vector<256x1xf32>
    %max3A_97 = arith.maximumf %dot_general3A_32, %max3A_96 : vector<256x1xf32>
    %div3A_98 = vector.broadcast %max3A_97 : vector<256x1xf32> to vector<256x256xf32>
    %div3A_99 = arith.divf %dot_general3A_95, %div3A_98 : vector<256x256xf32>
    %get3A_100 = arith.constant 0 : index
    %get3A_101 = arith.constant 0 : index
    %get3A_102 = vector.load %arg8[%get3A_100, %get3A_101] : memref<256x256xf32, #tpu.memory_space<vmem>>, vector<256x256xf32>
    %dot_general3A_103 = arith.constant dense<0.000000e+00> : vector<256x256xf32>
    %dot_general3A_104 = tpu.matmul %div3A_99, %get3A_102, %dot_general3A_103 {dimension_numbers = #tpu.dot_dimension_numbers<[1], [0], [0], [1], [0, 0, 1, 1], [], []>, transpose_lhs_hint = false} : vector<256x256xf32>, vector<256x256xf32>, vector<256x256xf32> -> vector<256x256xf32>
    %dot_general3A_105 = arith.constant dense<0.000000e+00> : vector<256x1xf32>
    %dot_general3A_106 = tpu.matmul %add3A_20, %broadcast_in_dim3A_0, %dot_general3A_105 {dimension_numbers = #tpu.dot_dimension_numbers<[1], [0], [0], [1], [0, 0, 1, 1], [], []>, transpose_lhs_hint = false} : vector<256x256xf32>, vector<256x1xf32>, vector<256x1xf32> -> vector<256x1xf32>
    %add3A_107 = arith.constant 1.000000e+00 : f32
    %add3A_108 = vector.broadcast %add3A_107 : f32 to vector<256x1xf32>
    %add3A_109 = arith.addf %dot_general3A_106, %add3A_108 : vector<256x1xf32>
    %gt3A_110 = arith.constant 0.000000e+00 : f32
    %gt3A_111 = vector.broadcast %gt3A_110 : f32 to vector<256x1xf32>
    %gt3A_112 = arith.cmpf ogt, %add3A_109, %gt3A_111 : vector<256x1xf32>
    %rsqrt3A = math.rsqrt %add3A_109 : vector<256x1xf32>
    %jit3A_113 = arith.constant 0.000000e+00 : f32
    %broadcast_in_dim3A_114 = vector.broadcast %jit3A_113 : f32 to vector<256x1xf32>
    %select_n3A_115 = arith.select %gt3A_112, %rsqrt3A, %broadcast_in_dim3A_114 : vector<256x1xi1>, vector<256x1xf32>
    %mul3A_116 = vector.broadcast %select_n3A_115 : vector<256x1xf32> to vector<256x256xf32>
    %mul3A_117 = arith.mulf %mul3A_116, %dot_general3A_104 : vector<256x256xf32>
    %dot_general3A_118 = arith.constant dense<0.000000e+00> : vector<256x256xf32>
    %dot_general3A_119 = tpu.matmul %add3A_20, %mul3A_117, %dot_general3A_118 {dimension_numbers = #tpu.dot_dimension_numbers<[1], [0], [0], [1], [0, 0, 1, 1], [], []>, transpose_lhs_hint = false} : vector<256x256xf32>, vector<256x256xf32>, vector<256x256xf32> -> vector<256x256xf32>
    %add3A_120 = arith.addf %dot_general3A_119, %mul3A_117 : vector<256x256xf32>
    %mul3A_121 = vector.broadcast %select_n3A_115 : vector<256x1xf32> to vector<256x256xf32>
    %mul3A_122 = arith.mulf %mul3A_121, %add3A_120 : vector<256x256xf32>
    %get3A_123 = arith.constant 0 : index
    %get3A_124 = arith.constant 0 : index
    %get3A_125 = vector.load %arg9[%get3A_123, %get3A_124] : memref<1x256xf32, #tpu.memory_space<vmem>>, vector<1x256xf32>
    %add3A_126 = vector.broadcast %get3A_125 : vector<1x256xf32> to vector<256x256xf32>
    %add3A_127 = arith.addf %mul3A_122, %add3A_126 : vector<256x256xf32>
    %get3A_128 = arith.constant 0 : index
    %get3A_129 = arith.constant 0 : index
    %get3A_130 = vector.load %arg10[%get3A_128, %get3A_129] : memref<256x256xf32, #tpu.memory_space<vmem>>, vector<256x256xf32>
    %dot_general3A_131 = arith.constant dense<0.000000e+00> : vector<256x256xf32>
    %dot_general3A_132 = tpu.matmul %add3A_127, %get3A_130, %dot_general3A_131 {dimension_numbers = #tpu.dot_dimension_numbers<[1], [0], [0], [1], [0, 0, 1, 1], [], []>, transpose_lhs_hint = false} : vector<256x256xf32>, vector<256x256xf32>, vector<256x256xf32> -> vector<256x256xf32>
    %get3A_133 = arith.constant 0 : index
    %get3A_134 = arith.constant 0 : index
    %get3A_135 = vector.load %arg11[%get3A_133, %get3A_134] : memref<1x256xf32, #tpu.memory_space<vmem>>, vector<1x256xf32>
    %add3A_136 = vector.broadcast %get3A_135 : vector<1x256xf32> to vector<256x256xf32>
    %add3A_137 = arith.addf %dot_general3A_132, %add3A_136 : vector<256x256xf32>
    %ge3A_138 = arith.constant 0.000000e+00 : f32
    %ge3A_139 = vector.broadcast %ge3A_138 : f32 to vector<256x256xf32>
    %ge3A_140 = arith.cmpf oge, %add3A_137, %ge3A_139 : vector<256x256xf32>
    %mul3A_141 = arith.constant 0.00999999977 : f32
    %mul3A_142 = vector.broadcast %mul3A_141 : f32 to vector<256x256xf32>
    %mul3A_143 = arith.mulf %mul3A_142, %add3A_137 : vector<256x256xf32>
    %select_n3A_144 = arith.select %ge3A_140, %add3A_137, %mul3A_143 : vector<256x256xi1>, vector<256x256xf32>
    %gt3A_145 = arith.constant 0.000000e+00 : f32
    %gt3A_146 = vector.broadcast %gt3A_145 : f32 to vector<256x256xf32>
    %gt3A_147 = arith.cmpf ogt, %add3A_31, %gt3A_146 : vector<256x256xf32>
    %jit3A_148 = arith.constant 0.000000e+00 : f32
    %jit3A_149 = arith.constant 1.000000e+30 : f32
    %broadcast_in_dim3A_150 = vector.broadcast %jit3A_148 : f32 to vector<256x256xf32>
    %broadcast_in_dim3A_151 = vector.broadcast %jit3A_149 : f32 to vector<256x256xf32>
    %select_n3A_152 = arith.select %gt3A_147, %broadcast_in_dim3A_150, %broadcast_in_dim3A_151 : vector<256x256xi1>, vector<256x256xf32>
    %swap3A = arith.constant 0 : index
    %swap3A_153 = arith.constant 0 : index
    %swap3A_154 = vector.load %arg17[%swap3A, %swap3A_153] : memref<256x256xf32, #tpu.memory_space<vmem>>, vector<256x256xf32>
    tpu.vector_store %arg17[%swap3A, %swap3A_153], %select_n3A_144 {strides = array<i32>} : memref<256x256xf32, #tpu.memory_space<vmem>>, vector<256x256xf32>,
    %broadcast_in_dim3A_155 = arith.constant 1.000000e+30 : f32
    %broadcast_in_dim3A_156 = vector.broadcast %broadcast_in_dim3A_155 : f32 to vector<256x256xf32>
    %scan3A = arith.constant 0 : i32
    %scan3A_157 = arith.constant 32 : i32
    %scan3A_158 = arith.addi %scan3A, %scan3A_157 : i32
    %scan3A_159 = arith.constant 1 : i32
    %scan3A_160 = scf.for %scan3A_191 = %scan3A to %scan3A_158 step %scan3A_159 iter_args(%scan3A_192 = %broadcast_in_dim3A_156) -> (vector<256x256xf32>)  : i32 {
      %iota3A = tpu.iota {dimensions = array<i32: 0>} : vector<256x8xi32>
      %iota3A_193 = tpu.iota {dimensions = array<i32: 1>} : vector<256x8xi32>
      %mul3A_194 = arith.constant 8 : i32
      %mul3A_195 = arith.muli %scan3A_191, %mul3A_194 : i32
      %add3A_196 = vector.broadcast %mul3A_195 : i32 to vector<256x8xi32>
      %add3A_197 = arith.addi %add3A_196, %iota3A_193 : vector<256x8xi32>
      %eq3A = arith.cmpi eq, %iota3A, %add3A_197 : vector<256x8xi32>
      %jit3A_198 = arith.constant 1.000000e+00 : f32
      %jit3A_199 = arith.constant 0.000000e+00 : f32
      %broadcast_in_dim3A_200 = vector.broadcast %jit3A_198 : f32 to vector<256x8xf32>
      %broadcast_in_dim3A_201 = vector.broadcast %jit3A_199 : f32 to vector<256x8xf32>
      %select_n3A_202 = arith.select %eq3A, %broadcast_in_dim3A_200, %broadcast_in_dim3A_201 : vector<256x8xi1>, vector<256x8xf32>
      %dot_general3A_203 = arith.constant dense<0.000000e+00> : vector<256x8xf32>
      %dot_general3A_204 = tpu.matmul %select_n3A_152, %select_n3A_202, %dot_general3A_203 {dimension_numbers = #tpu.dot_dimension_numbers<[1], [0], [0], [1], [0, 0, 1, 1], [], []>, transpose_lhs_hint = false} : vector<256x256xf32>, vector<256x8xf32>, vector<256x8xf32> -> vector<256x8xf32>
      %mul3A_205 = arith.constant 8 : i32
      %mul3A_206 = arith.muli %scan3A_191, %mul3A_205 : i32
      %get3A_207 = arith.index_cast %mul3A_206 : i32 to index
      %get3A_208 = arith.constant 0 : index
      %get3A_209 = vector.load %arg17[%get3A_207, %get3A_208] : memref<256x256xf32, #tpu.memory_space<vmem>>, vector<8x256xf32>
      %slice3A = vector.extract_strided_slice %dot_general3A_204 {offsets = [0, 0], sizes = [256, 1], strides = [1, 1]} : vector<256x8xf32> to vector<256x1xf32>
      %slice3A_210 = vector.extract_strided_slice %get3A_209 {offsets = [0, 0], sizes = [1, 256], strides = [1, 1]} : vector<8x256xf32> to vector<1x256xf32>
      %add3A_211 = vector.broadcast %slice3A : vector<256x1xf32> to vector<256x256xf32>
      %add3A_212 = vector.broadcast %slice3A_210 : vector<1x256xf32> to vector<256x256xf32>
      %add3A_213 = arith.addf %add3A_211, %add3A_212 : vector<256x256xf32>
      %min3A = arith.minimumf %scan3A_192, %add3A_213 : vector<256x256xf32>
      %slice3A_214 = vector.extract_strided_slice %dot_general3A_204 {offsets = [0, 1], sizes = [256, 1], strides = [1, 1]} : vector<256x8xf32> to vector<256x1xf32>
      %slice3A_215 = vector.extract_strided_slice %get3A_209 {offsets = [1, 0], sizes = [1, 256], strides = [1, 1]} : vector<8x256xf32> to vector<1x256xf32>
      %add3A_216 = vector.broadcast %slice3A_214 : vector<256x1xf32> to vector<256x256xf32>
      %add3A_217 = vector.broadcast %slice3A_215 : vector<1x256xf32> to vector<256x256xf32>
      %add3A_218 = arith.addf %add3A_216, %add3A_217 : vector<256x256xf32>
      %min3A_219 = arith.minimumf %min3A, %add3A_218 : vector<256x256xf32>
      %slice3A_220 = vector.extract_strided_slice %dot_general3A_204 {offsets = [0, 2], sizes = [256, 1], strides = [1, 1]} : vector<256x8xf32> to vector<256x1xf32>
      %slice3A_221 = vector.extract_strided_slice %get3A_209 {offsets = [2, 0], sizes = [1, 256], strides = [1, 1]} : vector<8x256xf32> to vector<1x256xf32>
      %add3A_222 = vector.broadcast %slice3A_220 : vector<256x1xf32> to vector<256x256xf32>
      %add3A_223 = vector.broadcast %slice3A_221 : vector<1x256xf32> to vector<256x256xf32>
      %add3A_224 = arith.addf %add3A_222, %add3A_223 : vector<256x256xf32>
      %min3A_225 = arith.minimumf %min3A_219, %add3A_224 : vector<256x256xf32>
      %slice3A_226 = vector.extract_strided_slice %dot_general3A_204 {offsets = [0, 3], sizes = [256, 1], strides = [1, 1]} : vector<256x8xf32> to vector<256x1xf32>
      %slice3A_227 = vector.extract_strided_slice %get3A_209 {offsets = [3, 0], sizes = [1, 256], strides = [1, 1]} : vector<8x256xf32> to vector<1x256xf32>
      %add3A_228 = vector.broadcast %slice3A_226 : vector<256x1xf32> to vector<256x256xf32>
      %add3A_229 = vector.broadcast %slice3A_227 : vector<1x256xf32> to vector<256x256xf32>
      %add3A_230 = arith.addf %add3A_228, %add3A_229 : vector<256x256xf32>
      %min3A_231 = arith.minimumf %min3A_225, %add3A_230 : vector<256x256xf32>
      %slice3A_232 = vector.extract_strided_slice %dot_general3A_204 {offsets = [0, 4], sizes = [256, 1], strides = [1, 1]} : vector<256x8xf32> to vector<256x1xf32>
      %slice3A_233 = vector.extract_strided_slice %get3A_209 {offsets = [4, 0], sizes = [1, 256], strides = [1, 1]} : vector<8x256xf32> to vector<1x256xf32>
      %add3A_234 = vector.broadcast %slice3A_232 : vector<256x1xf32> to vector<256x256xf32>
      %add3A_235 = vector.broadcast %slice3A_233 : vector<1x256xf32> to vector<256x256xf32>
      %add3A_236 = arith.addf %add3A_234, %add3A_235 : vector<256x256xf32>
      %min3A_237 = arith.minimumf %min3A_231, %add3A_236 : vector<256x256xf32>
      %slice3A_238 = vector.extract_strided_slice %dot_general3A_204 {offsets = [0, 5], sizes = [256, 1], strides = [1, 1]} : vector<256x8xf32> to vector<256x1xf32>
      %slice3A_239 = vector.extract_strided_slice %get3A_209 {offsets = [5, 0], sizes = [1, 256], strides = [1, 1]} : vector<8x256xf32> to vector<1x256xf32>
      %add3A_240 = vector.broadcast %slice3A_238 : vector<256x1xf32> to vector<256x256xf32>
      %add3A_241 = vector.broadcast %slice3A_239 : vector<1x256xf32> to vector<256x256xf32>
      %add3A_242 = arith.addf %add3A_240, %add3A_241 : vector<256x256xf32>
      %min3A_243 = arith.minimumf %min3A_237, %add3A_242 : vector<256x256xf32>
      %slice3A_244 = vector.extract_strided_slice %dot_general3A_204 {offsets = [0, 6], sizes = [256, 1], strides = [1, 1]} : vector<256x8xf32> to vector<256x1xf32>
      %slice3A_245 = vector.extract_strided_slice %get3A_209 {offsets = [6, 0], sizes = [1, 256], strides = [1, 1]} : vector<8x256xf32> to vector<1x256xf32>
      %add3A_246 = vector.broadcast %slice3A_244 : vector<256x1xf32> to vector<256x256xf32>
      %add3A_247 = vector.broadcast %slice3A_245 : vector<1x256xf32> to vector<256x256xf32>
      %add3A_248 = arith.addf %add3A_246, %add3A_247 : vector<256x256xf32>
      %min3A_249 = arith.minimumf %min3A_243, %add3A_248 : vector<256x256xf32>
      %slice3A_250 = vector.extract_strided_slice %dot_general3A_204 {offsets = [0, 7], sizes = [256, 1], strides = [1, 1]} : vector<256x8xf32> to vector<256x1xf32>
      %slice3A_251 = vector.extract_strided_slice %get3A_209 {offsets = [7, 0], sizes = [1, 256], strides = [1, 1]} : vector<8x256xf32> to vector<1x256xf32>
      %add3A_252 = vector.broadcast %slice3A_250 : vector<256x1xf32> to vector<256x256xf32>
      %add3A_253 = vector.broadcast %slice3A_251 : vector<1x256xf32> to vector<256x256xf32>
      %add3A_254 = arith.addf %add3A_252, %add3A_253 : vector<256x256xf32>
      %min3A_255 = arith.minimumf %min3A_249, %add3A_254 : vector<256x256xf32>
      scf.yield %min3A_255 : vector<256x256xf32>
    }
    %scan3A_161 = arith.constant 32 : i32
    %gt3A_162 = arith.constant 1.000000e+29 : f32
    %gt3A_163 = vector.broadcast %gt3A_162 : f32 to vector<256x256xf32>
    %gt3A_164 = arith.cmpf ogt, %scan3A_160, %gt3A_163 : vector<256x256xf32>
    %jit3A_165 = arith.constant 0.000000e+00 : f32
    %broadcast_in_dim3A_166 = vector.broadcast %jit3A_165 : f32 to vector<256x256xf32>
    %select_n3A_167 = arith.select %gt3A_164, %broadcast_in_dim3A_166, %scan3A_160 : vector<256x256xi1>, vector<256x256xf32>
    %get3A_168 = arith.constant 0 : index
    %get3A_169 = arith.constant 0 : index
    %get3A_170 = vector.load %arg12[%get3A_168, %get3A_169] : memref<256x128xf32, #tpu.memory_space<vmem>>, vector<256x128xf32>
    %dot_general3A_171 = arith.constant dense<0.000000e+00> : vector<256x128xf32>
    %dot_general3A_172 = tpu.matmul %select_n3A_167, %get3A_170, %dot_general3A_171 {dimension_numbers = #tpu.dot_dimension_numbers<[1], [0], [0], [1], [0, 0, 1, 1], [], []>, transpose_lhs_hint = false} : vector<256x256xf32>, vector<256x128xf32>, vector<256x128xf32> -> vector<256x128xf32>
    %get3A_173 = arith.constant 0 : index
    %get3A_174 = arith.constant 0 : index
    %get3A_175 = vector.load %arg13[%get3A_173, %get3A_174] : memref<1x128xf32, #tpu.memory_space<vmem>>, vector<1x128xf32>
    %add3A_176 = vector.broadcast %get3A_175 : vector<1x128xf32> to vector<256x128xf32>
    %add3A_177 = arith.addf %dot_general3A_172, %add3A_176 : vector<256x128xf32>
    %get3A_178 = arith.constant 0 : index
    %get3A_179 = arith.constant 0 : index
    %get3A_180 = vector.load %arg14[%get3A_178, %get3A_179] : memref<128x64xf32, #tpu.memory_space<vmem>>, vector<128x64xf32>
    %dot_general3A_181 = arith.constant dense<0.000000e+00> : vector<256x64xf32>
    %dot_general3A_182 = tpu.matmul %add3A_177, %get3A_180, %dot_general3A_181 {dimension_numbers = #tpu.dot_dimension_numbers<[1], [0], [0], [1], [0, 0, 1, 1], [], []>, transpose_lhs_hint = false} : vector<256x128xf32>, vector<128x64xf32>, vector<256x64xf32> -> vector<256x64xf32>
    %get3A_183 = arith.constant 0 : index
    %get3A_184 = arith.constant 0 : index
    %get3A_185 = vector.load %arg15[%get3A_183, %get3A_184] : memref<1x64xf32, #tpu.memory_space<vmem>>, vector<1x64xf32>
    %add3A_186 = vector.broadcast %get3A_185 : vector<1x64xf32> to vector<256x64xf32>
    %add3A_187 = arith.addf %dot_general3A_182, %add3A_186 : vector<256x64xf32>
    %swap3A_188 = arith.constant 0 : index
    %swap3A_189 = arith.constant 0 : index
    %swap3A_190 = vector.load %arg16[%swap3A_188, %swap3A_189] : memref<256x64xf32, #tpu.memory_space<vmem>>, vector<256x64xf32>
    tpu.vector_store %arg16[%swap3A_188, %swap3A_189], %add3A_187 {strides = array<i32>} : memref<256x64xf32, #tpu.memory_space<vmem>>, vector<256x64xf32>,
    return
  }
}

</mosaic_0001>

<sc_bundles>
// kernel: kernel.4.cloned.1.call-start
scs
__scs_entry_jumppad:
0x0: {  	(pc) =	sbr.rel $0x88, $3  }
0x1: {  	(tag) =	ssettag $0x0;
	lr =	simm.s32 $0x1  }
0x2: {  	[smem:$0x3F91] =	sst lr;
	_ =	strace $0xD0000000  }
0x3: {  	_ = 	snop  }
0x4: {  	_ = 	snop  }
0x5: {  	_ = 	snop  }
0x6: {  	_ = 	snop  }
0x7: {  	_ = 	snop  }
__scs_overlays_trampoline_lowered:
0x8: {  	[smem:$0x3FA0] =	sst s0  }
0x9: {  	[smem:$0x3FA1] =	sst s1  }
0xa: {  	[smem:$0x3FA2] =	sst s2  }
0xb: {  	[smem:$0x3FA3] =	sst s3  }
0xc: {  	[smem:$0x3FA4] =	sst s4  }
0xd: {  	[smem:$0x3FA5] =	sst s5  }
0xe: {  	[smem:$0x3FA6] =	sst s6  }
0xf: {  	[smem:$0x3FA7] =	sst s7  }
0x10: {  	[smem:$0x3FA8] =	sst s8  }
0x11: {  	[smem:$0x3FA9] =	sst s9;
	s0 =	simm.s32 @!p0 $0x0  }
0x12: {  	s1 =	sld [smem:$0x3F8F];
	s0 =	simm.s32 @p0 $0x1  }
0x13: {  	[smem:$0x3FAA] =	sst s0;
	s0 =	simm.s32 @!p1 $0x0  }
0x14: {  	s2 =	sld [smem:$0x3F8E];
	s0 =	simm.s32 @p1 $0x1  }
0x15: {  	[smem:$0x3FAB] =	sst s0;
	s0 =	simm.s32 @!p2 $0x0  }
0x16: {  	s3 =	sld [smem:$0x3FDB];
	s0 =	simm.s32 @p2 $0x1  }
0x17: {  	s4 =	simm.s32 $0x1BF5;
	[smem:$0x3FAD] =	sst s0  }
0x18: {  	s0 =	sld [smem:$0x3F90];
	_ =	swait.ge [sflag:s4], $0x0  }
0x19: {  	s7 =	sld [smem:$0x3F91]  }
0x1a: {  	s8 =	sadd.s32 $0xFFFFE003, lr  }
0x1b: {  	s9 =	sadd.s32 $0xFFFFFEF7, lr;
	s5 =	simm.s32 $0xFFFFFFFF;
	p2 =	slt.u32 s8, $0xFFFFF086  }
0x1c: {  	p1 =	slt.u32 s9, $0xF7A;
	s5 =	simm.s32 @!p2 $0x0  }
0x1d: {  	s5 =	simm.s32 @p1 $0x1;
	p0 =	seq.s32 s7, s2  }
0x1e: {  	s7 =	smul.u32 @!p0 $0xF7A, s2;
	p2 =	seq.s32 @!p0 s5, $0x0  }
0x1f: {  	s9 =	smul.u32 $0xF7A, s1;
	s8 =	simm.s32 @!p0 $0x1BF5;
	p2 =	por !p2, p0  }
0x20: {  	[sflag:s8] =	ssyncset.s32 @!p0 $0xFFFFF086;
	s6 =	sadd.s32 @!p0 s3, s7;
	s7 =	simm.s32 @!p0 $0x108  }
0x21: {  	s3 =	sadd.s32 s3, s9;
	s6 =	sadd.s32 @!p0 $0x88, s6;
	s7 =	simm.s32 @p2 $0x1082  }
0x22: {  	[simem:s7], [sflag:s8] =	dma.local @!p0 [hbm:s6], $0xF7A  }
0x23: {  	s9 =	sor.u32 $0xD0000000, s2;
	s6 =	simm.s32 $0x108;
	_ =	swait.ge @!p0 [sflag:s8], $0x0  }
0x24: {  	s3 =	sadd.s32 $0x88, s3;
	s6 =	simm.s32 @!p1 $0x1082;
	[sflag:s4] =	ssyncset.s32 $0xFFFFF086  }
0x25: {  	[simem:s6], [sflag:s4] =	dma.local [hbm:s3], $0xF7A  }
0x26: {  	[smem:$0x3F91] =	sst s1;
	(tag) =	ssettag s2;
	_ =	strace s9  }
0x27: {  	s1 =	sld [smem:$0x3FA1]  }
0x28: {  	s2 =	sld [smem:$0x3FA2]  }
0x29: {  	s4 =	sld [smem:$0x3FA4]  }
0x2a: {  	p0 =	seq.s32 s5, $0x0;
	s5 =	sld [smem:$0x3FA5]  }
0x2b: {  	s6 =	sld [smem:$0x3FA6]  }
0x2c: {  	s7 =	sld [smem:$0x3FA7]  }
0x2d: {  	s3 =	simm.s32 $0x108;
	s8 =	sld [smem:$0x3FA8]  }
0x2e: {  	s3 =	simm.s32 @!p0 $0x1082;
	s9 =	sld [smem:$0x3FA9]  }
0x2f: {  	lr =	sadd.s32 s0, s3;
	s0 =	sld [smem:$0x3FA0]  }
0x30: {  	s3 =	sld [smem:$0x3FA3]  }
0x31: {  	[smem:$0x3FAC] =	sst s10  }
0x32: {  	s10 =	sld [smem:$0x3FAA];
	_ =	sdelay $0x3  }
0x33: {  	p0 =	seq.s32 s10, $0x1;
	s10 =	sld [smem:$0x3FAC];
	_ =	sdelay $0x3  }
0x34: {  	[smem:$0x3FAC] =	sst s10  }
0x35: {  	s10 =	sld [smem:$0x3FAB];
	_ =	sdelay $0x3  }
0x36: {  	p1 =	seq.s32 s10, $0x1;
	s10 =	sld [smem:$0x3FAC];
	_ =	sdelay $0x3  }
0x37: {  	[smem:$0x3FAC] =	sst s10  }
0x38: {  	s10 =	sld [smem:$0x3FAD]  }
0x39: {  	_ = 	snop;
	(pc) =	sbr.ind lr, $3  }
0x3a: {  	_ = 	snop  }
0x3b: {  	_ = 	snop  }
0x3c: {  	p2 =	seq.s32 s10, $0x1;
	s10 =	sld [smem:$0x3FAC]  }
0x3d: {  	_ =	shalt  }
0x3e: {  	_ =	shalt  }
0x3f: {  	_ =	shalt  }
0x40: {  	_ =	shalt  }
0x41: {  	_ =	shalt  }
0x42: {  	_ =	shalt  }
0x43: {  	_ =	shalt  }
0x44: {  	_ =	shalt  }
0x45: {  	_ =	shalt  }
0x46: {  	_ =	shalt  }
0x47: {  	_ =	shalt  }
0x48: {  	_ =	shalt  }
0x49: {  	_ =	shalt  }
0x4a: {  	_ =	shalt  }
0x4b: {  	_ =	shalt  }
0x4c: {  	_ =	shalt  }
0x4d: {  	_ =	shalt  }
0x4e: {  	_ =	shalt  }
0x4f: {  	_ =	shalt  }
0x50: {  	_ =	shalt  }
0x51: {  	_ =	shalt  }
0x52: {  	_ =	shalt  }
0x53: {  	_ =	shalt  }
0x54: {  	_ =	shalt  }
0x55: {  	_ =	shalt  }
0x56: {  	_ =	shalt  }
0x57: {  	_ =	shalt  }
0x58: {  	_ =	shalt  }
0x59: {  	_ =	shalt  }
0x5a: {  	_ =	shalt  }
0x5b: {  	_ =	shalt  }
0x5c: {  	_ =	shalt  }
0x5d: {  	_ =	shalt  }
0x5e: {  	_ =	shalt  }
0x5f: {  	_ =	shalt  }
0x60: {  	_ =	shalt  }
0x61: {  	_ =	shalt  }
0x62: {  	_ =	shalt  }
0x63: {  	_ =	shalt  }
0x64: {  	_ =	shalt  }
0x65: {  	_ =	shalt  }
0x66: {  	_ =	shalt  }
0x67: {  	_ =	shalt  }
0x68: {  	_ =	shalt  }
0x69: {  	_ =	shalt  }
0x6a: {  	_ =	shalt  }
0x6b: {  	_ =	shalt  }
0x6c: {  	_ =	shalt  }
0x6d: {  	_ =	shalt  }
0x6e: {  	_ =	shalt  }
0x6f: {  	_ =	shalt  }
0x70: {  	_ =	shalt  }
0x71: {  	_ =	shalt  }
0x72: {  	_ =	shalt  }
0x73: {  	_ =	shalt  }
0x74: {  	_ =	shalt  }
0x75: {  	_ =	shalt  }
0x76: {  	_ =	shalt  }
0x77: {  	_ =	shalt  }
0x78: {  	_ =	shalt  }
0x79: {  	_ =	shalt  }
0x7a: {  	_ =	shalt  }
0x7b: {  	_ =	shalt  }
0x7c: {  	_ =	shalt  }
0x7d: {  	_ =	shalt  }
0x7e: {  	_ =	shalt  }
0x7f: {  	_ =	shalt  }
0x80: {  	_ =	shalt  }
0x81: {  	_ =	shalt  }
0x82: {  	_ =	shalt  }
0x83: {  	_ =	shalt  }
0x84: {  	_ =	shalt  }
0x85: {  	_ =	shalt  }
0x86: {  	_ =	shalt  }
0x87: {  	_ =	shalt  }
.Lfunc_end0:
.L_simem_size_0:
called_computation_lowered:
.L_overlay_start_0:
0x88: {  	s2 =	sld [smem:$0x3FD9]  }
0x89: {  	s3 =	sld [smem:$0x3FFE];
	_ =	sdelay $0x1  }
0x8a: {  	s1 =	srdreg.scid  }
0x8b: {  	s0 =	sand.u32 $0x1, s1  }
0x8c: {  	s17 =	sshll.u32 s0, $0xA;
	s2 =	sadd.s32 s3, s2  }
0x8d: {  	s2 =	sadd.s32 s2, s17  }
0x8e: {  	[smem:$0x3FB8] =	sst s2  }
0x8f: {  	_ = 	snop  }
0x90: {  	s2 =	sld [smem:$0x3FC9]  }
0x91: {  	s18 =	sld [smem:$0x3FC8]  }
0x92: {  	s4 =	sld [smem:$0x3FC7]  }
0x93: {  	s5 =	sld [smem:$0x3FD0];
	(tm) =	ssettm $0x1  }
0x94: {  	s6 =	sld [smem:$0x3FFB];
	_ =	sdelay $0x3  }
0x95: {  	_ =	strace s6  }
0x96: {  	s6 =	sld [smem:$0x3FFC];
	_ =	sdelay $0x3  }
0x97: {  	_ =	strace s6  }
0x98: {  	s6 =	sld [smem:$0x3FFD];
	_ =	sdelay $0x3  }
0x99: {  	_ =	strace s6  }
0x9a: {  	_ =	strace $0x8FFFFFFF  }
0x9b: {  	s19 =	sld [smem:$0x3FDB];
	_ =	sdelay $0x1  }
0x9c: {  	s7 =	simm.s32 $_scs_section_size  }
0x9d: {  	s8 =	simm.s32 $_size__tile_overlayer_lowered;
	s9 =	simm.s32 $_tile_overlayer_lowered  }
0x9e: {  	s22 =	simm.s32 $0x1BFF;
	s21 =	sshll.u32 s9, $0x1;
	s6 =	sadd.s32 s7, s19  }
0x9f: {  	s10 =	simm.s32 $0x0;
	s20 =	sshll.u32 s8, $0x1;
	s8 =	sadd.s32 s21, s6  }
0xa0: {  	[timem:s10], [sflag:s22] =	dma.local [hbm:s8], s20  }
0xa1: {  	_ =	swait.ge [sflag:s22], s20  }
0xa2: {  	s7 =	ssub.s32 $0x0, s20;
	[sflag:s22] =	ssyncset.done $0x0  }
0xa3: {  	[sflag:s22] =	ssyncadd.s32 s7;
	_ =	sdelay $0x1  }
0xa4: {  	s23 =	simm.s32 $0x1B8B  }
0xa5: {  	_ =	swait.ge [sflag:s23], $0x1  }
0xa6: {  	[sflag:s23] =	ssyncset.done $0x0  }
0xa7: {  	s25 =	simm.s32 $0x1B8E;
	s24 =	sld [smem:$0x3FFE];
	[sflag:s23] =	ssyncadd.s32 $0xFFFFFFFF  }
0xa8: {  	s26 =	simm.s32 $execute0_lowered;
	[smem:$0x3FD2] =	sst s25  }
0xa9: {  	s8 =	sshll.u32 s26, $0x1;
	_ =	strace $0x80000046;
	[dreg:$0x1] =	wrdreg $0xFFFFFFFF  }
0xaa: {  	s28 =	simm.s32 $_size_execute0_lowered;
	s6 =	sadd.s32 s6, s8;
	[dreg:$0x0] =	wrdreg $0x0  }
0xab: {  	s8 =	sshll.u32 s28, $0x1;
	[dreg:$0x2] =	wrdreg s6  }
0xac: {  	[dreg:$0x3] =	wrdreg s8  }
0xad: {  	[dreg:$0x4] =	wrdreg $0xC0  }
0xae: {  	_ =	task [dreg:s10], $0x5FFFF  }
0xaf: {  	[dreg:$0x1] =	wrdreg $0xFFFFFFFF  }
0xb0: {  	[dreg:$0x0] =	wrdreg $0x60  }
0xb1: {  	[dreg:$0x2] =	wrdreg s2  }
0xb2: {  	[dreg:$0x3] =	wrdreg s18  }
0xb3: {  	[dreg:$0x4] =	wrdreg s4  }
0xb4: {  	[dreg:$0x5] =	wrdreg s24  }
0xb5: {  	[dreg:$0x6] =	wrdreg s5  }
0xb6: {  	[dreg:$0x7] =	wrdreg $0x50800  }
0xb7: {  	[dreg:$0x8] =	wrdreg $0x9  }
0xb8: {  	_ =	task.clear_ibuf [dreg:s10], $0x9FFFF;
	_ =	strace $0x90000046  }
0xb9: {  	s29 =	simm.s32 $0x9;
	_ =	strace $0x80000048  }
0xba: {  	_ =	swait.ge [sflag:s29], $0x1  }
0xbb: {  	[sflag:s29] =	ssyncadd.s32 $0xFFFFFFFF  }
0xbc: {  	_ =	strace $0x90000048  }
0xbd: {  	_ =	sfence  }
0xbe: {  	s30 =	sld [smem:$0x0];
	_ =	sdelay $0x2  }
0xbf: {  	s31 =	sshll.u32 s1, $0xD;
	s1 =	sshrl.u32 s1, $0x2  }
0xc0: {  	s3 =	sand.u32 $0x4000, s31;
	s1 =	sadd.s32 s1, s30  }
0xc1: {  	s0 =	sor.u32 s3, s0;
	s1 =	sshll.u32 s1, $0x11  }
0xc2: {  	s0 =	sor.u32 s1, s0  }
0xc3: {  	s0 =	sadd.s32 $0x8F2B, s0  }
0xc4: {  	[sflag:s0] =	ssyncadd.remote.s32 $0x1  }
0xc5: {  	_ =	sfence.sel $0xFFFF  }
0xc6: {  	[dreg:$0x0] =	wrdreg $0xFFFFFFFF;
	(pc) =	sbr.abs _section_cstart, $3  }
0xc7: {  	[dreg:$0x1] =	wrdreg $0xFFFFFFFF  }
0xc8: {  	_ =	task.clear_ibuf [dreg:s10], $0x2FFFF;
	_ =	strace $0x9FFFFFFF  }
0xc9: {  	(tm) =	ssettm $0x7FFFFFFF  }
tec
execute0_lowered:
.L_overlay_start_1:
0x0: {  	(tag) =	ssettag $0x1  }
0x1: {  	s6 =	rddreg [dreg:$0x0]  }
0x2: {  	s8 =	rddreg [dreg:$0x1]  }
0x3: {  	s10 =	rddreg [dreg:$0x2]  }
0x4: {  	s5 =	rddreg [dreg:$0x3]  }
0x5: {  	s1 =	rddreg [dreg:$0x4]  }
0x6: {  	s2 =	rddreg [dreg:$0x5]  }
0x7: {  	s0 =	rddreg [dreg:$0x6];
	s3 =	simm.s32 $0x0;
	s4 =	srdreg.scid  }
0x8: {  	s11 =	stileid.u32;
	s15 =	simm.s32 $0x1;
	s16 =	simm.s32 $0x80  }
0x9: {  	s17 =	simm.s32 $0x100;
	s18 =	simm.s32 $0x1000;
	s19 =	simm.s32 $0x0  }
0xa: {  	[smem:$0x7FF] =	sst s3;
	s7 =	sand.u32 $0x1, s4;
	s4 =	sadd.s32 $0x2000, s5  }
0xb: {  	s13 =	sshll.u32 s11, $0xB;
	p0 =	sne.s32 s11, $0x0;
	_ =	strace $0x80000047  }
0xc: {  	s9 =	sshll.u32 s7, $0x4;
	s12 =	ssub.s32 $0x2, s7;
	s7 =	sshll.u32 s7, $0xA  }
0xd: {  	s14 =	sadd.s32 s9, s5;
	s30 =	sshrl.u32 s12, $0x1;
	s31 =	sor.u32 s7, s13  }
0xe: {  	s12 =	ssub.s32 s12, s30;
	s5 =	sadd.s32 s6, s31;
	s13 =	sor.u32 $0x10, s31  }
0xf: {  	s7 =	sadd.s32 s8, s31;
	s9 =	sadd.s32 s10, s31;
	s11 =	sadd.s32 $0x8000, s14  }
0x10: {  	s14 =	simm.s32 $0x5000;
	s6 =	sadd.s32 s6, s13;
	s8 =	sadd.s32 s8, s13  }
0x11: {  	s10 =	sadd.s32 s10, s13;
	s12 =	smax.u32 s12, $0x1;
	s13 =	sshrl.u32 @!p0 s2, $0x3  }
.LBB2_1:
0x12: {  	s20 =	simm.s32 @!p0 $0x1C01  }
0x13: {  	[spmem:s13], [sflag:s20] =	dma.local @!p0 [hbm:s4], $0x6000  }
0x14: {  	s20 =	simm.s32 @!p0 $0x1  }
0x15: {  	_ =	swait.ge @!p0 [sflag:s20], $0x6000  }
0x16: {  	[sflag:s20] =	ssyncset.done @!p0 $0x0  }
0x17: {  	[sflag:s20] =	ssyncadd.s32 @!p0 $0xFFFFA000  }
0x18: {  	[tilespmem:s14], [sflag:$0x1] =	stream.linear.gather [hbm4b:s1+s3], $0x80, $0x38;
	[tilespmem:$0x8080] =	vst v63  }
0x19: {  	_ =	swait.ge [sflag:s15], $0x80  }
0x1a: {  	[sflag:s15] =	ssyncset.done $0x0  }
0x1b: {  	[sflag:s15] =	ssyncadd.s32 $0xFFFFFF80  }
0x1c: {  	[tilespmem:s3], [sflag:$0x1] =	stream.strided.gather [hbm4b:s5+s16], $0x1000, s17, s16, $0x38;
	[tilespmem:$0x8080] =	vst v63  }
0x1d: {  	_ =	swait.ge [sflag:s15], $0x1000  }
0x1e: {  	[sflag:s15] =	ssyncset.done $0x0  }
0x1f: {  	[sflag:s15] =	ssyncadd.s32 $0xFFFFF000  }
0x20: {  	[tilespmem:s18], [sflag:$0x1] =	stream.strided.gather [hbm4b:s6+s16], $0x1000, s17, s16, $0x38;
	[tilespmem:$0x8080] =	vst v63  }
0x21: {  	_ =	swait.ge [sflag:s15], $0x1000  }
0x22: {  	[sflag:s15] =	ssyncset.done $0x0  }
0x23: {  	s20 =	simm.s32 $0x0;
	[sflag:s15] =	ssyncadd.s32 $0xFFFFF000  }
0x24: {  	v0 =	vld [tilespmem:s20+$0x1070]  }
0x25: {  	v1 =	vld [tilespmem:s20+$0x70]  }
0x26: {  	v2 =	vld [tilespmem:s20+$0x1000]  }
0x27: {  	v3 =	vld [tilespmem:s20+$0x1010]  }
0x28: {  	v4 =	vld [tilespmem:s20+$0x1020]  }
0x29: {  	v6 =	vld [tilespmem:s20+$0x1030]  }
0x2a: {  	v9 =	vld [tilespmem:s20+$0x1040]  }
0x2b: {  	v8 =	vld [tilespmem:s20+$0x0]  }
0x2c: {  	v10 =	vld [tilespmem:s20+$0x10];
	v0 =	vshll.u32 v0, $0x8  }
0x2d: {  	v0 =	vadd.s32 v1, v0;
	v1 =	vld [tilespmem:s20+$0x1050]  }
0x2e: {  	[tilespmem:s20+$0x2070] =	vst v0;
	v0 =	vld [tilespmem:s20+$0x1060]  }
0x2f: {  	v7 =	vld [tilespmem:s20+$0x20]  }
0x30: {  	v5 =	vld [tilespmem:s20+$0x30]  }
0x31: {  	v11 =	vshll.u32 v2, $0x8;
	v2 =	vld [tilespmem:s20+$0x40];
	v12 =	vshll.u32 v3, $0x8;
	v6 =	vshll.u32 v6, $0x8  }
0x32: {  	v3 =	vld [tilespmem:s20+$0x50];
	v11 =	vadd.s32 v8, v11;
	v8 =	vshll.u32 v4, $0x8;
	v4 =	vshll.u32 v9, $0x8  }
0x33: {  	s21 =	simm.s32 $0x80;
	s22 =	simm.s32 $0x400;
	v10 =	vadd.s32 v10, v12;
	v9 =	vld [tilespmem:s20+$0x60];
	[tilespmem:s20+$0x2000] =	vst v11;
	v1 =	vshll.u32 v1, $0x8;
	v0 =	vshll.u32 v0, $0x8  }
.LBB2_2:
0x34: {  	p1 =	sne.s32 s22, $0x3E00;
	v11 =	vld [tilespmem:s21+$0x1070];
	[tilespmem:s20+$0x2010] =	vst v10;
	v7 =	vadd.s32 v7, v8  }
0x35: {  	v8 =	vld [tilespmem:s21+$0x70];
	[tilespmem:s20+$0x2020] =	vst v7;
	v5 =	vadd.s32 v5, v6  }
0x36: {  	v6 =	vld [tilespmem:s21+$0x1000];
	[tilespmem:s20+$0x2030] =	vst v5;
	v2 =	vadd.s32 v2, v4  }
0x37: {  	v4 =	vld [tilespmem:s21+$0x1010];
	[tilespmem:s20+$0x2040] =	vst v2;
	v1 =	vadd.s32 v3, v1  }
0x38: {  	v2 =	vld [tilespmem:s21+$0x1020];
	[tilespmem:s20+$0x2050] =	vst v1;
	v0 =	vadd.s32 v9, v0  }
0x39: {  	v1 =	vld [tilespmem:s21+$0x1030];
	v3 =	vshll.u32 v11, $0x8;
	[tilespmem:s20+$0x2060] =	vst v0;
	s20 =	smov.u32 s21  }
0x3a: {  	v0 =	vld [tilespmem:s20+$0x1040];
	v3 =	vadd.s32 v8, v3  }
0x3b: {  	v9 =	vshll.u32 v6, $0x8;
	v10 =	vld [tilespmem:s20+$0x1050];
	[tilespmem:s20+$0x2070] =	vst v3  }
0x3c: {  	v11 =	vshll.u32 v4, $0x8;
	v3 =	vld [tilespmem:s20+$0x1060]  }
0x3d: {  	v12 =	vld [tilespmem:s20+$0x0];
	v8 =	vshll.u32 v2, $0x8  }
0x3e: {  	v13 =	vld [tilespmem:s20+$0x10];
	v6 =	vshll.u32 v1, $0x8  }
.Ltmp0:
0x3f: {  	v7 =	vld [tilespmem:s20+$0x20];
	v4 =	vshll.u32 v0, $0x8;
	(pc) =	sbr.rel @p1 .LBB2_2-.Ltmp0, $4  }
0x40: {  	v5 =	vld [tilespmem:s20+$0x30];
	v1 =	vshll.u32 v10, $0x8  }
0x41: {  	v2 =	vld [tilespmem:s20+$0x40];
	v0 =	vshll.u32 v3, $0x8  }
0x42: {  	v9 =	vadd.s32 v12, v9;
	v3 =	vld [tilespmem:s20+$0x50]  }
0x43: {  	s21 =	sshra.s32 s22, $0x2;
	s22 =	sadd.s32 $0x200, s22;
	[tilespmem:s20+$0x2000] =	vst v9;
	v10 =	vadd.s32 v13, v11;
	v9 =	vld [tilespmem:s20+$0x60]  }
0x44: {  	v11 =	vld [tilespmem:s21+$0x1070];
	[tilespmem:s20+$0x2010] =	vst v10;
	v7 =	vadd.s32 v7, v8  }
0x45: {  	v8 =	vld [tilespmem:s21+$0x70];
	[tilespmem:s20+$0x2020] =	vst v7;
	v5 =	vadd.s32 v5, v6  }
0x46: {  	v6 =	vld [tilespmem:s21+$0x1000];
	[tilespmem:s20+$0x2030] =	vst v5;
	v2 =	vadd.s32 v2, v4  }
0x47: {  	v4 =	vld [tilespmem:s21+$0x1010];
	[tilespmem:s20+$0x2040] =	vst v2;
	v1 =	vadd.s32 v3, v1  }
0x48: {  	v2 =	vld [tilespmem:s21+$0x1020];
	[tilespmem:s20+$0x2050] =	vst v1;
	v0 =	vadd.s32 v9, v0  }
0x49: {  	v1 =	vld [tilespmem:s21+$0x1030];
	[tilespmem:s20+$0x2060] =	vst v0  }
0x4a: {  	v3 =	vld [tilespmem:s21+$0x1040]  }
0x4b: {  	v5 =	vld [tilespmem:s21+$0x1050]  }
0x4c: {  	v0 =	vshll.u32 v11, $0x8;
	v7 =	vld [tilespmem:s21+$0x0]  }
0x4d: {  	v0 =	vadd.s32 v8, v0;
	v8 =	vld [tilespmem:s21+$0x10]  }
0x4e: {  	v9 =	vld [tilespmem:s21+$0x20]  }
0x4f: {  	v10 =	vld [tilespmem:s21+$0x30]  }
0x50: {  	v11 =	vld [tilespmem:s21+$0x40]  }
0x51: {  	[tilespmem:s21+$0x2070] =	vst v0;
	v0 =	vld [tilespmem:s21+$0x1060];
	v6 =	vshll.u32 v6, $0x8  }
0x52: {  	v4 =	vshll.u32 v4, $0x8;
	v6 =	vadd.s32 v7, v6;
	v7 =	vld [tilespmem:s21+$0x50]  }
0x53: {  	v2 =	vshll.u32 v2, $0x8;
	v4 =	vadd.s32 v8, v4;
	[tilespmem:s21+$0x2000] =	vst v6;
	v6 =	vld [tilespmem:s21+$0x60]  }
0x54: {  	v1 =	vshll.u32 v1, $0x8;
	v2 =	vadd.s32 v9, v2;
	[tilespmem:s21+$0x2010] =	vst v4  }
0x55: {  	v3 =	vshll.u32 v3, $0x8;
	v1 =	vadd.s32 v10, v1;
	[tilespmem:s21+$0x2020] =	vst v2  }
0x56: {  	v2 =	vshll.u32 v5, $0x8;
	[tilespmem:s21+$0x2030] =	vst v1;
	v1 =	vadd.s32 v11, v3  }
0x57: {  	v0 =	vshll.u32 v0, $0x8;
	[tilespmem:s21+$0x2040] =	vst v1;
	v1 =	vadd.s32 v7, v2  }
0x58: {  	[tilespmem:s21+$0x2050] =	vst v1;
	v0 =	vadd.s32 v6, v0  }
0x59: {  	s31 =	simm.s32 $0x0;
	[tilespmem:s21+$0x2060] =	vst v0  }
0x5a: {  	[tilespmem:s31], [sflag:$0x1] =	stream.strided.gather [hbm4b:s7+s16], $0x1000, s17, s16, $0x38;
	[tilespmem:$0x8080] =	vst v63  }
0x5b: {  	_ =	swait.ge [sflag:s15], $0x1000  }
0x5c: {  	[sflag:s15] =	ssyncset.done $0x0  }
0x5d: {  	[sflag:s15] =	ssyncadd.s32 $0xFFFFF000  }
0x5e: {  	[tilespmem:s18], [sflag:$0x1] =	stream.strided.gather [hbm4b:s8+s16], $0x1000, s17, s16, $0x38;
	[tilespmem:$0x8080] =	vst v63  }
0x5f: {  	_ =	swait.ge [sflag:s15], $0x1000  }
0x60: {  	[sflag:s15] =	ssyncset.done $0x0  }
0x61: {  	s20 =	simm.s32 $0x0;
	[sflag:s15] =	ssyncadd.s32 $0xFFFFF000  }
0x62: {  	v0 =	vld [tilespmem:s20+$0x1070]  }
0x63: {  	v1 =	vld [tilespmem:s20+$0x70]  }
0x64: {  	v2 =	vld [tilespmem:s20+$0x1000]  }
0x65: {  	v3 =	vld [tilespmem:s20+$0x1010]  }
0x66: {  	v4 =	vld [tilespmem:s20+$0x1020]  }
0x67: {  	v5 =	vld [tilespmem:s20+$0x1030]  }
0x68: {  	v7 =	vld [tilespmem:s20+$0x1040];
	v0 =	vshll.u32 v0, $0x8  }
0x69: {  	v10 =	vld [tilespmem:s20+$0x1060];
	v0 =	vadd.s32 v0, v1  }
0x6a: {  	v11 =	vld [tilespmem:s20+$0x10];
	v0 =	vadd.s32 $0x10000, v0  }
0x6b: {  	[tilespmem:s20+$0x3070] =	vst v0;
	v0 =	vld [tilespmem:s20+$0x0]  }
0x6c: {  	v1 =	vld [tilespmem:s20+$0x1050]  }
0x6d: {  	v9 =	vld [tilespmem:s20+$0x20]  }
0x6e: {  	v6 =	vld [tilespmem:s20+$0x30];
	v12 =	vshll.u32 v2, $0x8  }
0x6f: {  	v13 =	vshll.u32 v3, $0x8;
	v8 =	vshll.u32 v4, $0x8;
	v4 =	vshll.u32 v5, $0x8;
	v5 =	vld [tilespmem:s20+$0x40]  }
0x70: {  	v2 =	vshll.u32 v7, $0x8;
	v3 =	vld [tilespmem:s20+$0x50];
	v11 =	vadd.s32 v13, v11;
	v7 =	vadd.s32 v12, v0  }
0x71: {  	s22 =	simm.s32 $0x400;
	s21 =	simm.s32 $0x80;
	v1 =	vshll.u32 v1, $0x8;
	v0 =	vshll.u32 v10, $0x8;
	v10 =	vadd.s32 $0x10000, v7;
	v7 =	vld [tilespmem:s20+$0x60]  }
.LBB2_4:
0x72: {  	p1 =	sne.s32 s22, $0x3E00;
	v12 =	vld [tilespmem:s21+$0x1070];
	[tilespmem:s20+$0x3000] =	vst v10;
	v10 =	vadd.s32 $0x10000, v11;
	v8 =	vadd.s32 v8, v9  }
0x73: {  	v9 =	vld [tilespmem:s21+$0x70];
	[tilespmem:s20+$0x3010] =	vst v10;
	v8 =	vadd.s32 $0x10000, v8;
	v4 =	vadd.s32 v4, v6  }
0x74: {  	v6 =	vld [tilespmem:s21+$0x1000];
	[tilespmem:s20+$0x3020] =	vst v8;
	v4 =	vadd.s32 $0x10000, v4;
	v2 =	vadd.s32 v2, v5  }
0x75: {  	v5 =	vld [tilespmem:s21+$0x1010];
	[tilespmem:s20+$0x3030] =	vst v4;
	v2 =	vadd.s32 $0x10000, v2;
	v1 =	vadd.s32 v1, v3  }
0x76: {  	v3 =	vld [tilespmem:s21+$0x1020];
	[tilespmem:s20+$0x3040] =	vst v2;
	v1 =	vadd.s32 $0x10000, v1;
	v0 =	vadd.s32 v0, v7  }
0x77: {  	v2 =	vld [tilespmem:s21+$0x1030];
	v4 =	vshll.u32 v12, $0x8;
	[tilespmem:s20+$0x3050] =	vst v1;
	v0 =	vadd.s32 $0x10000, v0  }
0x78: {  	v1 =	vld [tilespmem:s21+$0x1040];
	v4 =	vadd.s32 v4, v9;
	[tilespmem:s20+$0x3060] =	vst v0;
	s20 =	smov.u32 s21  }
0x79: {  	v7 =	vshll.u32 v6, $0x8;
	v0 =	vld [tilespmem:s20+$0x1050];
	v4 =	vadd.s32 $0x10000, v4  }
0x7a: {  	v11 =	vshll.u32 v5, $0x8;
	v10 =	vld [tilespmem:s20+$0x1060];
	[tilespmem:s20+$0x3070] =	vst v4  }
0x7b: {  	v12 =	vld [tilespmem:s20+$0x0];
	v8 =	vshll.u32 v3, $0x8  }
0x7c: {  	v13 =	vld [tilespmem:s20+$0x10];
	v4 =	vshll.u32 v2, $0x8  }
.Ltmp1:
0x7d: {  	v9 =	vld [tilespmem:s20+$0x20];
	v2 =	vshll.u32 v1, $0x8;
	(pc) =	sbr.rel @p1 .LBB2_4-.Ltmp1, $4  }
0x7e: {  	v6 =	vld [tilespmem:s20+$0x30];
	v1 =	vshll.u32 v0, $0x8  }
0x7f: {  	v5 =	vld [tilespmem:s20+$0x40];
	v0 =	vshll.u32 v10, $0x8  }
0x80: {  	v7 =	vadd.s32 v7, v12;
	v3 =	vld [tilespmem:s20+$0x50]  }
0x81: {  	s21 =	sshra.s32 s22, $0x2;
	s22 =	sadd.s32 $0x200, s22;
	v10 =	vadd.s32 $0x10000, v7;
	v11 =	vadd.s32 v11, v13;
	v7 =	vld [tilespmem:s20+$0x60]  }
0x82: {  	v12 =	vld [tilespmem:s21+$0x1070];
	[tilespmem:s20+$0x3000] =	vst v10;
	v10 =	vadd.s32 $0x10000, v11;
	v8 =	vadd.s32 v8, v9  }
0x83: {  	v11 =	vld [tilespmem:s21+$0x70];
	[tilespmem:s20+$0x3010] =	vst v10;
	v8 =	vadd.s32 $0x10000, v8;
	v4 =	vadd.s32 v4, v6  }
0x84: {  	v9 =	vld [tilespmem:s21+$0x1000];
	[tilespmem:s20+$0x3020] =	vst v8;
	v4 =	vadd.s32 $0x10000, v4;
	v2 =	vadd.s32 v2, v5  }
0x85: {  	v6 =	vld [tilespmem:s21+$0x1010];
	[tilespmem:s20+$0x3030] =	vst v4;
	v2 =	vadd.s32 $0x10000, v2;
	v1 =	vadd.s32 v1, v3  }
0x86: {  	v4 =	vld [tilespmem:s21+$0x1020];
	[tilespmem:s20+$0x3040] =	vst v2;
	v1 =	vadd.s32 $0x10000, v1;
	v0 =	vadd.s32 v0, v7  }
0x87: {  	v2 =	vld [tilespmem:s21+$0x1030];
	[tilespmem:s20+$0x3050] =	vst v1;
	v0 =	vadd.s32 $0x10000, v0  }
0x88: {  	v3 =	vshll.u32 v12, $0x8;
	v1 =	vld [tilespmem:s21+$0x1040];
	[tilespmem:s20+$0x3060] =	vst v0  }
0x89: {  	v0 =	vadd.s32 v3, v11;
	v3 =	vld [tilespmem:s21+$0x1050]  }
0x8a: {  	v0 =	vadd.s32 $0x10000, v0;
	v5 =	vld [tilespmem:s21+$0x1060]  }
0x8b: {  	[tilespmem:s21+$0x3070] =	vst v0;
	v0 =	vld [tilespmem:s21+$0x0]  }
0x8c: {  	v7 =	vld [tilespmem:s21+$0x10]  }
0x8d: {  	v8 =	vld [tilespmem:s21+$0x20]  }
0x8e: {  	v10 =	vld [tilespmem:s21+$0x30]  }
0x8f: {  	v9 =	vshll.u32 v9, $0x8;
	v11 =	vld [tilespmem:s21+$0x40]  }
0x90: {  	v6 =	vshll.u32 v6, $0x8;
	v0 =	vadd.s32 v9, v0;
	v9 =	vld [tilespmem:s21+$0x50]  }
0x91: {  	v4 =	vshll.u32 v4, $0x8;
	v6 =	vadd.s32 v6, v7;
	v7 =	vld [tilespmem:s21+$0x60];
	v0 =	vadd.s32 $0x10000, v0  }
0x92: {  	v2 =	vshll.u32 v2, $0x8;
	v4 =	vadd.s32 v4, v8;
	[tilespmem:s21+$0x3000] =	vst v0;
	v0 =	vadd.s32 $0x10000, v6  }
0x93: {  	v1 =	vshll.u32 v1, $0x8;
	v2 =	vadd.s32 v2, v10;
	[tilespmem:s21+$0x3010] =	vst v0;
	v0 =	vadd.s32 $0x10000, v4  }
0x94: {  	v3 =	vshll.u32 v3, $0x8;
	v1 =	vadd.s32 v1, v11;
	[tilespmem:s21+$0x3020] =	vst v0;
	v0 =	vadd.s32 $0x10000, v2  }
0x95: {  	v2 =	vshll.u32 v5, $0x8;
	[tilespmem:s21+$0x3030] =	vst v0;
	v0 =	vadd.s32 $0x10000, v1;
	v1 =	vadd.s32 v3, v9  }
0x96: {  	[tilespmem:s21+$0x3040] =	vst v0;
	v0 =	vadd.s32 $0x10000, v1;
	v1 =	vadd.s32 v2, v7  }
0x97: {  	[tilespmem:s21+$0x3050] =	vst v0;
	v0 =	vadd.s32 $0x10000, v1  }
0x98: {  	s31 =	simm.s32 $0x0;
	[tilespmem:s21+$0x3060] =	vst v0  }
0x99: {  	[tilespmem:s31], [sflag:$0x1] =	stream.strided.gather [hbm4b:s9+s16], $0x1000, s17, s16, $0x38;
	[tilespmem:$0x8080] =	vst v63  }
0x9a: {  	_ =	swait.ge [sflag:s15], $0x1000  }
0x9b: {  	[sflag:s15] =	ssyncset.done $0x0  }
0x9c: {  	[sflag:s15] =	ssyncadd.s32 $0xFFFFF000  }
0x9d: {  	[tilespmem:s18], [sflag:$0x1] =	stream.strided.gather [hbm4b:s10+s16], $0x1000, s17, s16, $0x38;
	[tilespmem:$0x8080] =	vst v63  }
0x9e: {  	_ =	swait.ge [sflag:s15], $0x1000  }
0x9f: {  	[sflag:s15] =	ssyncset.done $0x0  }
0xa0: {  	s20 =	simm.s32 $0x0;
	[sflag:s15] =	ssyncadd.s32 $0xFFFFF000  }
0xa1: {  	v0 =	vld [tilespmem:s20+$0x1070]  }
0xa2: {  	v1 =	vld [tilespmem:s20+$0x70]  }
0xa3: {  	v2 =	vld [tilespmem:s20+$0x1000]  }
0xa4: {  	v3 =	vld [tilespmem:s20+$0x1010]  }
0xa5: {  	v4 =	vld [tilespmem:s20+$0x1020]  }
0xa6: {  	v5 =	vld [tilespmem:s20+$0x1030]  }
0xa7: {  	v7 =	vld [tilespmem:s20+$0x1040];
	v0 =	vshll.u32 v0, $0x8  }
0xa8: {  	v10 =	vld [tilespmem:s20+$0x1060];
	v0 =	vadd.s32 v0, v1  }
0xa9: {  	v11 =	vld [tilespmem:s20+$0x10];
	v0 =	vadd.s32 $0x20000, v0  }
0xaa: {  	[tilespmem:s20+$0x4070] =	vst v0;
	v0 =	vld [tilespmem:s20+$0x0]  }
0xab: {  	v1 =	vld [tilespmem:s20+$0x1050]  }
0xac: {  	v9 =	vld [tilespmem:s20+$0x20]  }
0xad: {  	v6 =	vld [tilespmem:s20+$0x30];
	v63 =	vshll.u32 v2, $0x8  }
0xae: {  	v13 =	vshll.u32 v3, $0x8;
	v8 =	vshll.u32 v4, $0x8;
	v4 =	vshll.u32 v5, $0x8;
	v5 =	vld [tilespmem:s20+$0x40]  }
0xaf: {  	v2 =	vshll.u32 v7, $0x8;
	v3 =	vld [tilespmem:s20+$0x50];
	v11 =	vadd.s32 v13, v11;
	v7 =	vadd.s32 v63, v0  }
0xb0: {  	s22 =	simm.s32 $0x400;
	s21 =	simm.s32 $0x80;
	v1 =	vshll.u32 v1, $0x8;
	v0 =	vshll.u32 v10, $0x8;
	v10 =	vadd.s32 $0x20000, v7;
	v7 =	vld [tilespmem:s20+$0x60]  }
.LBB2_6:
0xb1: {  	p1 =	sne.s32 s22, $0x3E00;
	v12 =	vld [tilespmem:s21+$0x1070];
	[tilespmem:s20+$0x4000] =	vst v10;
	v10 =	vadd.s32 $0x20000, v11;
	v8 =	vadd.s32 v8, v9  }
0xb2: {  	v9 =	vld [tilespmem:s21+$0x70];
	[tilespmem:s20+$0x4010] =	vst v10;
	v8 =	vadd.s32 $0x20000, v8;
	v4 =	vadd.s32 v4, v6  }
0xb3: {  	v6 =	vld [tilespmem:s21+$0x1000];
	[tilespmem:s20+$0x4020] =	vst v8;
	v4 =	vadd.s32 $0x20000, v4;
	v2 =	vadd.s32 v2, v5  }
0xb4: {  	v5 =	vld [tilespmem:s21+$0x1010];
	[tilespmem:s20+$0x4030] =	vst v4;
	v2 =	vadd.s32 $0x20000, v2;
	v1 =	vadd.s32 v1, v3  }
0xb5: {  	v3 =	vld [tilespmem:s21+$0x1020];
	[tilespmem:s20+$0x4040] =	vst v2;
	v1 =	vadd.s32 $0x20000, v1;
	v0 =	vadd.s32 v0, v7  }
0xb6: {  	v2 =	vld [tilespmem:s21+$0x1030];
	v4 =	vshll.u32 v12, $0x8;
	[tilespmem:s20+$0x4050] =	vst v1;
	v0 =	vadd.s32 $0x20000, v0  }
0xb7: {  	v1 =	vld [tilespmem:s21+$0x1040];
	v4 =	vadd.s32 v4, v9;
	[tilespmem:s20+$0x4060] =	vst v0;
	s20 =	smov.u32 s21  }
0xb8: {  	v7 =	vshll.u32 v6, $0x8;
	v0 =	vld [tilespmem:s20+$0x1050];
	v4 =	vadd.s32 $0x20000, v4  }
0xb9: {  	v11 =	vshll.u32 v5, $0x8;
	v10 =	vld [tilespmem:s20+$0x1060];
	[tilespmem:s20+$0x4070] =	vst v4  }
0xba: {  	v12 =	vld [tilespmem:s20+$0x0];
	v8 =	vshll.u32 v3, $0x8  }
0xbb: {  	v13 =	vld [tilespmem:s20+$0x10];
	v4 =	vshll.u32 v2, $0x8  }
.Ltmp2:
0xbc: {  	v9 =	vld [tilespmem:s20+$0x20];
	v2 =	vshll.u32 v1, $0x8;
	(pc) =	sbr.rel @p1 .LBB2_6-.Ltmp2, $4  }
0xbd: {  	v6 =	vld [tilespmem:s20+$0x30];
	v1 =	vshll.u32 v0, $0x8  }
0xbe: {  	v5 =	vld [tilespmem:s20+$0x40];
	v0 =	vshll.u32 v10, $0x8  }
0xbf: {  	v7 =	vadd.s32 v7, v12;
	v3 =	vld [tilespmem:s20+$0x50]  }
0xc0: {  	s21 =	sshra.s32 s22, $0x2;
	s22 =	sadd.s32 $0x200, s22;
	v10 =	vadd.s32 $0x20000, v7;
	v11 =	vadd.s32 v11, v13;
	v7 =	vld [tilespmem:s20+$0x60]  }
0xc1: {  	v12 =	vld [tilespmem:s21+$0x1070];
	[tilespmem:s20+$0x4000] =	vst v10;
	v42 =	vadd.s32 $0x20000, v11;
	v8 =	vadd.s32 v8, v9  }
0xc2: {  	v43 =	vld [tilespmem:s21+$0x70];
	[tilespmem:s20+$0x4010] =	vst v42;
	v8 =	vadd.s32 $0x20000, v8;
	v4 =	vadd.s32 v4, v6  }
0xc3: {  	v44 =	vld [tilespmem:s21+$0x1000];
	[tilespmem:s20+$0x4020] =	vst v8;
	v4 =	vadd.s32 $0x20000, v4;
	v2 =	vadd.s32 v2, v5  }
0xc4: {  	v45 =	vld [tilespmem:s21+$0x1010];
	[tilespmem:s20+$0x4030] =	vst v4;
	v2 =	vadd.s32 $0x20000, v2;
	v1 =	vadd.s32 v1, v3  }
0xc5: {  	v4 =	vld [tilespmem:s21+$0x1020];
	[tilespmem:s20+$0x4040] =	vst v2;
	v1 =	vadd.s32 $0x20000, v1;
	v0 =	vadd.s32 v0, v7  }
0xc6: {  	v2 =	vld [tilespmem:s21+$0x1030];
	[tilespmem:s20+$0x4050] =	vst v1;
	v0 =	vadd.s32 $0x20000, v0  }
0xc7: {  	v1 =	vld [tilespmem:s21+$0x1040];
	[tilespmem:s20+$0x4060] =	vst v0  }
0xc8: {  	v48 =	vld [tilespmem:s21+$0x1050]  }
0xc9: {  	v49 =	vld [tilespmem:s21+$0x1060]  }
0xca: {  	v50 =	vld [tilespmem:s21+$0x0]  }
0xcb: {  	v51 =	vld [tilespmem:s21+$0x10]  }
0xcc: {  	v46 =	vshll.u32 v12, $0x8;
	v8 =	vld [tilespmem:s21+$0x20]  }
0xcd: {  	v47 =	vadd.s32 v46, v43;
	v10 =	vld [tilespmem:s21+$0x30]  }
0xce: {  	v0 =	vadd.s32 $0x20000, v47;
	v9 =	vshll.u32 v44, $0x8;
	v52 =	vld [tilespmem:s21+$0x40]  }
0xcf: {  	v53 =	vld [tilespmem:s21+$0x50];
	[tilespmem:s21+$0x4070] =	vst v0;
	v6 =	vshll.u32 v45, $0x8;
	v0 =	vadd.s32 v9, v50  }
0xd0: {  	v54 =	vld [tilespmem:s21+$0x60];
	v4 =	vshll.u32 v4, $0x8;
	v6 =	vadd.s32 v6, v51;
	v0 =	vadd.s32 $0x20000, v0  }
0xd1: {  	v2 =	vshll.u32 v2, $0x8;
	v4 =	vadd.s32 v4, v8;
	v55 =	vadd.s32 $0x20000, v6;
	[tilespmem:s21+$0x4000] =	vst v0  }
0xd2: {  	v1 =	vshll.u32 v1, $0x8;
	v2 =	vadd.s32 v2, v10;
	v56 =	vadd.s32 $0x20000, v4;
	[tilespmem:s21+$0x4010] =	vst v55  }
0xd3: {  	v3 =	vshll.u32 v48, $0x8;
	v1 =	vadd.s32 v1, v52;
	v57 =	vadd.s32 $0x20000, v2;
	[tilespmem:s21+$0x4020] =	vst v56  }
0xd4: {  	v58 =	vshll.u32 v49, $0x8;
	v59 =	vadd.s32 $0x20000, v1;
	v60 =	vadd.s32 v3, v53;
	[tilespmem:s21+$0x4030] =	vst v57  }
0xd5: {  	v62 =	vadd.s32 v58, v54;
	[tilespmem:s21+$0x4040] =	vst v59;
	v61 =	vadd.s32 $0x20000, v60  }
0xd6: {  	v63 =	vadd.s32 $0x20000, v62;
	[tilespmem:s21+$0x4050] =	vst v61  }
0xd7: {  	[tilespmem:s21+$0x4060] =	vst v63  }
0xd8: {  	s31 =	simm.s32 $0x2000;
	[bflag:$0x0] =	sbarrier.arrive $0xFFFF  }
0xd9: {  	[spmem:s2] =	stream.indirect.scatter.add.f32 [tilespmem:s14], [sflag:$0x1], $0x1, s31, s16, $0xb8;
	[tilespmem:$0x8080] =	vst v63  }
0xda: {  	s20 =	simm.s32 $0x200;
	_ =	swait.ge [sflag:s15], $0x80  }
.LBB2_8:
0xdb: {  	s21 =	sshra.s32 s20, $0x2;
	[sflag:s15] =	ssyncset.done $0x0;
	p1 =	sne.s32 s20, $0xBE00  }
.Ltmp3:
0xdc: {  	s21 =	sadd.s32 $0x2000, s21;
	[sflag:s15] =	ssyncadd.s32 $0xFFFFFF80;
	(pc) =	sbr.rel @p1 .LBB2_8-.Ltmp3, $3  }
0xdd: {  	[spmem:s2] =	stream.indirect.scatter.add.f32 [tilespmem:s14], [sflag:$0x1], $0x1, s21, s16, $0xb8;
	[tilespmem:$0x8080] =	vst v63  }
0xde: {  	s20 =	sadd.s32 $0x200, s20;
	_ =	sdelay $0x1  }
0xdf: {  	_ =	swait.ge [sflag:s15], $0x80  }
0xe0: {  	[sflag:s15] =	ssyncset.done $0x0  }
0xe1: {  	s20 =	simm.s32 @!p0 $0x1;
	s21 =	simm.s32 @!p0 $0x20;
	s19 =	sadd.s32 $0x1, s19  }
0xe2: {  	s22 =	simm.s32 @!p0 $0x10;
	[sflag:s15] =	ssyncadd.s32 $0xFFFFFF80;
	p1 =	sne.s32 s19, s12  }
.Ltmp4:
0xe3: {  	s23 =	simm.s32 @!p0 $0x1C01;
	[bflag:$0x0] =	sbarrier.arrive $0xFFFF;
	(pc) =	sbr.rel @p1 .LBB2_1-.Ltmp4, $4  }
0xe4: {  	[hbm:s11@s21], [sflag:s23] =	dma.strided @!p0 [spmem:s13@s22], $0x6000, s20, $0x10   }
0xe5: {  	_ =	swait.ge @!p0 [sflag:s20], $0x6000  }
0xe6: {  	[sflag:s20] =	ssyncset.done @!p0 $0x0  }
0xe7: {  	[sflag:s20] =	ssyncadd.s32 @!p0 $0xFFFFA000  }
0xe8: {  	_ =	sfence.sel $0x180000  }
0xe9: {  	[bflag:$0x0] =	sbarrier.arrive $0xFFFF  }
0xea: {  	_ =	strace $0x90000047  }
0xeb: {  	s0 =	sadd.s32 @!p0 $0x100000, s0;
	[bflag:$0x2] =	sbarrier.arrive $0xFFFF  }
0xec: {  	[sflag:s0] =	ssyncadd.tile.s32 @!p0 $0x1;
	_ =	shalt  }
.Lfunc_end2:
_tile_overlayer_lowered:
.L_overlay_start_2:
0xed: {  	(tag) =	ssettag $0x2  }
0xee: {  	s0 =	rddreg [dreg:$0x0];
	s2 =	stileid.u32  }
0xef: {  	s1 =	rddreg [dreg:$0x1];
	p0 =	sne.s32 s2, $0x0  }
0xf0: {  	s3 =	rddreg [dreg:$0x2];
	[bflag:$0x3] =	sbarrier.arrive $0xFFFF;
	s2 =	simm.s32 @!p0 $0x1C01  }
0xf1: {  	[timem:s3], [sflag:s2] =	dma.local @!p0 [hbm:s0], s1  }
0xf2: {  	s0 =	simm.s32 @!p0 $0x1  }
0xf3: {  	_ =	swait.ge @!p0 [sflag:s0], s1  }
0xf4: {  	s1 =	ssub.s32 @!p0 $0x0, s1;
	[sflag:s0] =	ssyncset.done @!p0 $0x0  }
0xf5: {  	[sflag:s0] =	ssyncadd.s32 @!p0 s1  }
0xf6: {  	[bflag:$0x3] =	sbarrier.arrive $0xFFFF  }
0xf7: {  	_ =	shalt  }

</sc_bundles>
